<compile_context>
chip_gen: v7x
topology: tpu7x:2x2x1
jax: 0.10.2.dev20260603
libtpu: 0.0.44.dev20260713+nightly
codegen_flags: <defaults>
</compile_context>

<pallas_src>
import functools

import jax
import jax.numpy as jnp
from jax import lax
from jax.experimental import pallas as pl
from jax.experimental.pallas import tpu as pltpu
from jax.experimental.pallas import tpu_sc as plsc

ALPHA = 0.5
BETA = 0.5
S, C, H, W = 8, 4, 512, 512
NI = 4096
NC, NS, L = 2, 16, 16
NWORK = NC * NS
IV_PER_W = 2 * S * C * NI // NWORK
CHUNKS = IV_PER_W // L
BLK_CHUNKS = NI // L
DMA_CH = 128
N_DMA = IV_PER_W // DMA_CH

G0, G1 = 8, 4
WG0 = -ALPHA * BETA / (C * G0)
WB0 = ALPHA * (1.0 - BETA) / (C * (NI - G0))
WG1 = -(1.0 - ALPHA) * BETA / (C * G1)
WB1 = (1.0 - ALPHA) * (1.0 - BETA) / (C * (NI - G1))
CONST = (ALPHA + (1.0 - ALPHA)) * S * BETA


def _sc_body(pred_hbm, bx0_hbm, by0_hbm, dx0_hbm, dy0_hbm,
             bx1_hbm, by1_hbm, dx1_hbm, dy1_hbm, out_hbm,
             bx_v, by_v, dx_v, dy_v, idxb_v, idxd_v, valb_v, vald_v,
             acc_v, sem):
    cid = lax.axis_index("c")
    sid = lax.axis_index("s")
    wid = cid * NS + sid

    span = pl.ds(sid * IV_PER_W, IV_PER_W)

    @pl.when(cid == 0)
    def _():
        pltpu.async_copy(bx0_hbm.at[span], bx_v, sem)
        pltpu.async_copy(by0_hbm.at[span], by_v, sem)
        pltpu.async_copy(dx0_hbm.at[span], dx_v, sem)
        pltpu.async_copy(dy0_hbm.at[span], dy_v, sem)

    @pl.when(cid == 1)
    def _():
        pltpu.async_copy(bx1_hbm.at[span], bx_v, sem)
        pltpu.async_copy(by1_hbm.at[span], by_v, sem)
        pltpu.async_copy(dx1_hbm.at[span], dx_v, sem)
        pltpu.async_copy(dy1_hbm.at[span], dy_v, sem)

    pltpu.make_async_copy(bx0_hbm.at[span], bx_v, sem).wait()
    pltpu.make_async_copy(bx0_hbm.at[span], by_v, sem).wait()
    pltpu.make_async_copy(bx0_hbm.at[span], dx_v, sem).wait()
    pltpu.make_async_copy(bx0_hbm.at[span], dy_v, sem).wait()

    iota = lax.iota(jnp.int32, L)
    blk0 = sid * 2
    sub_per_row = DMA_CH // L

    def row_body(k, carry):
        for sub in range(sub_per_row):
            j = k * sub_per_row + sub
            o = pl.ds(j * L, L)
            base = (blk0 + j // BLK_CHUNKS) * (H * W)
            idxb_v[k, pl.ds(sub * L, L)] = base + bx_v[o] * W + by_v[o]
            idxd_v[k, pl.ds(sub * L, L)] = base + dx_v[o] * W + dy_v[o]
        pltpu.async_copy(pred_hbm.at[idxb_v.at[k]],
                         valb_v.at[pl.ds(k * DMA_CH, DMA_CH)], sem)
        pltpu.async_copy(pred_hbm.at[idxd_v.at[k]],
                         vald_v.at[pl.ds(k * DMA_CH, DMA_CH)], sem)
        return carry

    lax.fori_loop(0, N_DMA, row_body, 0)
    pltpu.make_async_copy(pred_hbm.at[pl.ds(0, IV_PER_W)], valb_v, sem).wait()
    pltpu.make_async_copy(pred_hbm.at[pl.ds(0, IV_PER_W)], vald_v, sem).wait()

    wg = jnp.where(cid == 0, WG0, WG1)
    wb = jnp.where(cid == 0, WB0, WB1)
    ng = jnp.where(cid == 0, G0, G1)

    def red_body(k, acc):
        for sub in range(sub_per_row):
            o = pl.ds((k * sub_per_row + sub) * L, L)
            df = valb_v[o] - vald_v[o]
            acc = acc + df * df
        return acc

    acc = lax.fori_loop(0, N_DMA, red_body, jnp.zeros((L,), jnp.float32))
    acc = acc * wb.astype(jnp.float32)
    dw = (wg - wb).astype(jnp.float32)
    for t in range(2):
        o = pl.ds(t * NI, L)
        df = valb_v[o] - vald_v[o]
        acc = acc + jnp.where(iota < ng, dw * df * df, 0.0)
    acc_v[...] = acc
    pltpu.sync_copy(acc_v, out_hbm.at[wid])


@functools.cache
def _interval_loss_sc():
    return pl.kernel(
        _sc_body,
        out_type=jax.ShapeDtypeStruct((NWORK, L), jnp.float32),
        mesh=plsc.VectorSubcoreMesh(core_axis_name="c", subcore_axis_name="s",
                                    num_cores=NC, num_subcores=NS),
        scratch_types=[
            pltpu.VMEM((IV_PER_W,), jnp.int32),
            pltpu.VMEM((IV_PER_W,), jnp.int32),
            pltpu.VMEM((IV_PER_W,), jnp.int32),
            pltpu.VMEM((IV_PER_W,), jnp.int32),
            pltpu.VMEM((N_DMA, DMA_CH), jnp.int32),
            pltpu.VMEM((N_DMA, DMA_CH), jnp.int32),
            pltpu.VMEM((IV_PER_W,), jnp.float32),
            pltpu.VMEM((IV_PER_W,), jnp.float32),
            pltpu.VMEM((L,), jnp.float32),
            pltpu.SemaphoreType.DMA,
        ],
        compiler_params=pltpu.CompilerParams(needs_layout_passes=False),
    )


@jax.jit
def kernel(prediction, intervals_comp_0, intervals_comp_1):
    pred = prediction.reshape(-1)
    planes = []
    for iv in (intervals_comp_0, intervals_comp_1):
        for a, b in ((0, 0), (0, 1), (1, 0), (1, 1)):
            planes.append(iv[:, :, :, a, b].reshape(-1))
    partials = _interval_loss_sc()(pred, *planes)
    return jnp.float32(CONST) + jnp.sum(partials)

# --- scband reference (transcript-rebuilt; emitter-appended) ---
"""Pipeline reference for scband-birth-death-interval-loss-19250043420933 (READ-ONLY COPY).

The authoritative reference and input builder live on the scoring server;
editing this copy changes nothing except your own understanding.
"""

import jax, jax.numpy as jnp
import numpy as np

ALPHA = 0.5
BETA = 0.5
GOOD_INTERVALS_0 = [8, 8, 8, 8]
GOOD_INTERVALS_1 = [4, 4, 4, 4]


def setup_inputs(seed: int = 0) -> dict:
    key = jax.random.key(seed)
    k1, k2, k3 = jax.random.split(key, 3)
    prediction = jax.random.normal(k1, (8, 4, 512, 512), dtype=jnp.float32)
    intervals_comp_0 = jax.random.randint(k2, (8, 4, 4096, 2, 2), 0, 512, dtype=jnp.int32)
    intervals_comp_1 = jax.random.randint(k3, (8, 4, 4096, 2, 2), 0, 512, dtype=jnp.int32)
    return {
        "prediction": prediction,
        "intervals_comp_0": intervals_comp_0,
        "intervals_comp_1": intervals_comp_1,
    }


def _interval_diff_sum(pred2d, ivals, num_comps):
    total_intervals = ivals.shape[0]
    num_bad = max(total_intervals - num_comps, 0)
    num_good = min(total_intervals, num_comps)
    bx = ivals[:, 0, 0]
    by = ivals[:, 0, 1]
    dx = ivals[:, 1, 0]
    dy = ivals[:, 1, 1]
    birth_values = pred2d[bx, by]
    death_values = pred2d[dx, dy]
    interval_diff = (birth_values - death_values) ** 2
    loss = 0.0
    if num_good > 0:
        loss = BETA * (1.0 - jnp.mean(interval_diff[:num_good]))
    if num_bad > 0:
        loss = loss + (1.0 - BETA) * jnp.mean(interval_diff[num_good:])
    return loss


def _compute_interval_diff(prediction, intervals, num_comps):
    num_samples = prediction.shape[0]
    num_classes = prediction.shape[1]
    total_loss = 0.0
    for s in range(num_samples):
        sample_loss = 0.0
        for c in range(num_classes):
            sample_loss = sample_loss + _interval_diff_sum(prediction[s, c], intervals[s, c], num_comps[c])
        total_loss = total_loss + sample_loss / num_classes
    return total_loss


def reference(prediction, intervals_comp_0, intervals_comp_1):
    loss_0 = _compute_interval_diff(prediction, intervals_comp_0, GOOD_INTERVALS_0)
    loss_1 = _compute_interval_diff(prediction, intervals_comp_1, GOOD_INTERVALS_1)
    return ALPHA * loss_0 + (1.0 - ALPHA) * loss_1

if __name__ == "__main__":
    import jax
    _d = setup_inputs()
    print(jax.jit(kernel)(*tuple(_d.values())))

</pallas_src>

<mosaic_0001>
#map = affine_map<(d0, d1) -> (0)>
#map1 = affine_map<(d0, d1) -> (0, 0)>
module attributes {stable_mosaic.version = 14 : i64} {
  func.func @_sc_body(%arg0: i32, %arg1: i32, %arg2: memref<8388608xf32, #tpu.memory_space<hbm>>, %arg3: memref<131072xi32, #tpu.memory_space<hbm>>, %arg4: memref<131072xi32, #tpu.memory_space<hbm>>, %arg5: memref<131072xi32, #tpu.memory_space<hbm>>, %arg6: memref<131072xi32, #tpu.memory_space<hbm>>, %arg7: memref<131072xi32, #tpu.memory_space<hbm>>, %arg8: memref<131072xi32, #tpu.memory_space<hbm>>, %arg9: memref<131072xi32, #tpu.memory_space<hbm>>, %arg10: memref<131072xi32, #tpu.memory_space<hbm>>, %arg11: memref<32x16xf32, #tpu.memory_space<hbm>>, %arg12: memref<8192xi32, #tpu.memory_space<vmem>>, %arg13: memref<8192xi32, #tpu.memory_space<vmem>>, %arg14: memref<8192xi32, #tpu.memory_space<vmem>>, %arg15: memref<8192xi32, #tpu.memory_space<vmem>>, %arg16: memref<64x128xi32, #tpu.memory_space<vmem>>, %arg17: memref<64x128xi32, #tpu.memory_space<vmem>>, %arg18: memref<8192xf32, #tpu.memory_space<vmem>>, %arg19: memref<8192xf32, #tpu.memory_space<vmem>>, %arg20: memref<16xf32, #tpu.memory_space<vmem>>, %arg21: memref<!tpu.dma_semaphore, #tpu.memory_space<semaphore_mem>>) attributes {dimension_semantics = [#tpu.dimension_semantics<core_parallel>, #tpu.dimension_semantics<subcore_parallel>], iteration_bounds = array<i64: 2, 16>, scalar_prefetch = 0 : i64, scratch_operands = 10 : i64, tpu.core_type = #tpu.core_type<sc_vector_subcore>, window_params = [{transform_indices = #map}, {transform_indices = #map}, {transform_indices = #map}, {transform_indices = #map}, {transform_indices = #map}, {transform_indices = #map}, {transform_indices = #map}, {transform_indices = #map}, {transform_indices = #map}, {transform_indices = #map1}]} {
    %mul3A = arith.constant 16 : i32
    %mul3A_0 = arith.muli %arg0, %mul3A : i32
    %add3A = arith.addi %mul3A_0, %arg1 : i32
    %mul3A_1 = arith.constant 8192 : i32
    %mul3A_2 = arith.muli %arg1, %mul3A_1 : i32
    %eq3A = arith.constant 0 : i32
    %eq3A_3 = arith.cmpi eq, %arg0, %eq3A : i32
    %convert_element_type3A = arith.extui %eq3A_3 : i1 to i32
    %cond3A = arith.constant 0 : i32
    %cond3A_4 = arith.cmpi ne, %convert_element_type3A, %cond3A : i32
    scf.if %cond3A_4 {
      %dma_start3A = tpu.memref_slice %arg3[%mul3A_2] : memref<131072xi32, #tpu.memory_space<hbm>> -> memref<8192xi32, #tpu.memory_space<hbm>>
      %dma_start3A_81 = tpu.memref_slice %arg3[%mul3A_2] : memref<131072xi32, #tpu.memory_space<hbm>> -> memref<8192xi32, #tpu.memory_space<hbm>>
      tpu.enqueue_dma source(%dma_start3A_81 : memref<8192xi32, #tpu.memory_space<hbm>>) target(%arg12 : memref<8192xi32, #tpu.memory_space<vmem>>) target_semaphore(%arg21 : memref<!tpu.dma_semaphore, #tpu.memory_space<semaphore_mem>>)
      %dma_start3A_82 = tpu.memref_slice %arg4[%mul3A_2] : memref<131072xi32, #tpu.memory_space<hbm>> -> memref<8192xi32, #tpu.memory_space<hbm>>
      %dma_start3A_83 = tpu.memref_slice %arg4[%mul3A_2] : memref<131072xi32, #tpu.memory_space<hbm>> -> memref<8192xi32, #tpu.memory_space<hbm>>
      tpu.enqueue_dma source(%dma_start3A_83 : memref<8192xi32, #tpu.memory_space<hbm>>) target(%arg13 : memref<8192xi32, #tpu.memory_space<vmem>>) target_semaphore(%arg21 : memref<!tpu.dma_semaphore, #tpu.memory_space<semaphore_mem>>)
      %dma_start3A_84 = tpu.memref_slice %arg5[%mul3A_2] : memref<131072xi32, #tpu.memory_space<hbm>> -> memref<8192xi32, #tpu.memory_space<hbm>>
      %dma_start3A_85 = tpu.memref_slice %arg5[%mul3A_2] : memref<131072xi32, #tpu.memory_space<hbm>> -> memref<8192xi32, #tpu.memory_space<hbm>>
      tpu.enqueue_dma source(%dma_start3A_85 : memref<8192xi32, #tpu.memory_space<hbm>>) target(%arg14 : memref<8192xi32, #tpu.memory_space<vmem>>) target_semaphore(%arg21 : memref<!tpu.dma_semaphore, #tpu.memory_space<semaphore_mem>>)
      %dma_start3A_86 = tpu.memref_slice %arg6[%mul3A_2] : memref<131072xi32, #tpu.memory_space<hbm>> -> memref<8192xi32, #tpu.memory_space<hbm>>
      %dma_start3A_87 = tpu.memref_slice %arg6[%mul3A_2] : memref<131072xi32, #tpu.memory_space<hbm>> -> memref<8192xi32, #tpu.memory_space<hbm>>
      tpu.enqueue_dma source(%dma_start3A_87 : memref<8192xi32, #tpu.memory_space<hbm>>) target(%arg15 : memref<8192xi32, #tpu.memory_space<vmem>>) target_semaphore(%arg21 : memref<!tpu.dma_semaphore, #tpu.memory_space<semaphore_mem>>)
    } else {
    }
    %eq3A_5 = arith.constant 1 : i32
    %eq3A_6 = arith.cmpi eq, %arg0, %eq3A_5 : i32
    %convert_element_type3A_7 = arith.extui %eq3A_6 : i1 to i32
    %cond3A_8 = arith.constant 0 : i32
    %cond3A_9 = arith.cmpi ne, %convert_element_type3A_7, %cond3A_8 : i32
    scf.if %cond3A_9 {
      %dma_start3A = tpu.memref_slice %arg7[%mul3A_2] : memref<131072xi32, #tpu.memory_space<hbm>> -> memref<8192xi32, #tpu.memory_space<hbm>>
      %dma_start3A_81 = tpu.memref_slice %arg7[%mul3A_2] : memref<131072xi32, #tpu.memory_space<hbm>> -> memref<8192xi32, #tpu.memory_space<hbm>>
      tpu.enqueue_dma source(%dma_start3A_81 : memref<8192xi32, #tpu.memory_space<hbm>>) target(%arg12 : memref<8192xi32, #tpu.memory_space<vmem>>) target_semaphore(%arg21 : memref<!tpu.dma_semaphore, #tpu.memory_space<semaphore_mem>>)
      %dma_start3A_82 = tpu.memref_slice %arg8[%mul3A_2] : memref<131072xi32, #tpu.memory_space<hbm>> -> memref<8192xi32, #tpu.memory_space<hbm>>
      %dma_start3A_83 = tpu.memref_slice %arg8[%mul3A_2] : memref<131072xi32, #tpu.memory_space<hbm>> -> memref<8192xi32, #tpu.memory_space<hbm>>
      tpu.enqueue_dma source(%dma_start3A_83 : memref<8192xi32, #tpu.memory_space<hbm>>) target(%arg13 : memref<8192xi32, #tpu.memory_space<vmem>>) target_semaphore(%arg21 : memref<!tpu.dma_semaphore, #tpu.memory_space<semaphore_mem>>)
      %dma_start3A_84 = tpu.memref_slice %arg9[%mul3A_2] : memref<131072xi32, #tpu.memory_space<hbm>> -> memref<8192xi32, #tpu.memory_space<hbm>>
      %dma_start3A_85 = tpu.memref_slice %arg9[%mul3A_2] : memref<131072xi32, #tpu.memory_space<hbm>> -> memref<8192xi32, #tpu.memory_space<hbm>>
      tpu.enqueue_dma source(%dma_start3A_85 : memref<8192xi32, #tpu.memory_space<hbm>>) target(%arg14 : memref<8192xi32, #tpu.memory_space<vmem>>) target_semaphore(%arg21 : memref<!tpu.dma_semaphore, #tpu.memory_space<semaphore_mem>>)
      %dma_start3A_86 = tpu.memref_slice %arg10[%mul3A_2] : memref<131072xi32, #tpu.memory_space<hbm>> -> memref<8192xi32, #tpu.memory_space<hbm>>
      %dma_start3A_87 = tpu.memref_slice %arg10[%mul3A_2] : memref<131072xi32, #tpu.memory_space<hbm>> -> memref<8192xi32, #tpu.memory_space<hbm>>
      tpu.enqueue_dma source(%dma_start3A_87 : memref<8192xi32, #tpu.memory_space<hbm>>) target(%arg15 : memref<8192xi32, #tpu.memory_space<vmem>>) target_semaphore(%arg21 : memref<!tpu.dma_semaphore, #tpu.memory_space<semaphore_mem>>)
    } else {
    }
    %dma_wait3A = tpu.memref_slice %arg3[%mul3A_2] : memref<131072xi32, #tpu.memory_space<hbm>> -> memref<8192xi32, #tpu.memory_space<hbm>>
    %dma_wait3A_10 = tpu.memref_slice %arg3[%mul3A_2] : memref<131072xi32, #tpu.memory_space<hbm>> -> memref<8192xi32, #tpu.memory_space<hbm>>
    tpu.wait_dma2 semaphore(%arg21 : memref<!tpu.dma_semaphore, #tpu.memory_space<semaphore_mem>>) src(%dma_wait3A_10 : memref<8192xi32, #tpu.memory_space<hbm>>) dst(%arg12 : memref<8192xi32, #tpu.memory_space<vmem>>)
    %dma_wait3A_11 = tpu.memref_slice %arg3[%mul3A_2] : memref<131072xi32, #tpu.memory_space<hbm>> -> memref<8192xi32, #tpu.memory_space<hbm>>
    %dma_wait3A_12 = tpu.memref_slice %arg3[%mul3A_2] : memref<131072xi32, #tpu.memory_space<hbm>> -> memref<8192xi32, #tpu.memory_space<hbm>>
    tpu.wait_dma2 semaphore(%arg21 : memref<!tpu.dma_semaphore, #tpu.memory_space<semaphore_mem>>) src(%dma_wait3A_12 : memref<8192xi32, #tpu.memory_space<hbm>>) dst(%arg13 : memref<8192xi32, #tpu.memory_space<vmem>>)
    %dma_wait3A_13 = tpu.memref_slice %arg3[%mul3A_2] : memref<131072xi32, #tpu.memory_space<hbm>> -> memref<8192xi32, #tpu.memory_space<hbm>>
    %dma_wait3A_14 = tpu.memref_slice %arg3[%mul3A_2] : memref<131072xi32, #tpu.memory_space<hbm>> -> memref<8192xi32, #tpu.memory_space<hbm>>
    tpu.wait_dma2 semaphore(%arg21 : memref<!tpu.dma_semaphore, #tpu.memory_space<semaphore_mem>>) src(%dma_wait3A_14 : memref<8192xi32, #tpu.memory_space<hbm>>) dst(%arg14 : memref<8192xi32, #tpu.memory_space<vmem>>)
    %dma_wait3A_15 = tpu.memref_slice %arg3[%mul3A_2] : memref<131072xi32, #tpu.memory_space<hbm>> -> memref<8192xi32, #tpu.memory_space<hbm>>
    %dma_wait3A_16 = tpu.memref_slice %arg3[%mul3A_2] : memref<131072xi32, #tpu.memory_space<hbm>> -> memref<8192xi32, #tpu.memory_space<hbm>>
    tpu.wait_dma2 semaphore(%arg21 : memref<!tpu.dma_semaphore, #tpu.memory_space<semaphore_mem>>) src(%dma_wait3A_16 : memref<8192xi32, #tpu.memory_space<hbm>>) dst(%arg15 : memref<8192xi32, #tpu.memory_space<vmem>>)
    %iota3A = tpu.iota {dimensions = array<i32: 0>} : vector<16xi32>
    %mul3A_17 = arith.constant 2 : i32
    %mul3A_18 = arith.muli %arg1, %mul3A_17 : i32
    %scan3A = arith.constant 0 : i32
    %scan3A_19 = arith.constant 0 : i32
    %scan3A_20 = arith.constant 64 : i32
    %scan3A_21 = arith.addi %scan3A_19, %scan3A_20 : i32
    %scan3A_22 = arith.constant 1 : i32
    scf.for %scan3A_81 = %scan3A_19 to %scan3A_21 step %scan3A_22  : i32 {
      %mul3A_82 = arith.constant 8 : i32
      %mul3A_83 = arith.muli %scan3A_81, %mul3A_82 : i32
      %add3A_84 = arith.constant 0 : i32
      %add3A_85 = arith.addi %mul3A_83, %add3A_84 : i32
      %mul3A_86 = arith.constant 16 : i32
      %mul3A_87 = arith.muli %add3A_85, %mul3A_86 : i32
      %jit3A_88 = arith.constant 256 : i32
      %div3A = arith.divsi %add3A_85, %jit3A_88 : i32
      %sign3A = arith.constant 0 : i32
      %sign3A_89 = arith.cmpi sgt, %add3A_85, %sign3A : i32
      %sign3A_90 = arith.extui %sign3A_89 : i1 to i32
      %sign3A_91 = arith.constant 0 : i32
      %sign3A_92 = arith.cmpi slt, %add3A_85, %sign3A_91 : i32
      %sign3A_93 = arith.extui %sign3A_92 : i1 to i32
      %sign3A_94 = arith.subi %sign3A_90, %sign3A_93 : i32
      %sign3A_95 = arith.constant 0 : i32
      %sign3A_96 = arith.cmpi sgt, %jit3A_88, %sign3A_95 : i32
      %sign3A_97 = arith.extui %sign3A_96 : i1 to i32
      %sign3A_98 = arith.constant 0 : i32
      %sign3A_99 = arith.cmpi slt, %jit3A_88, %sign3A_98 : i32
      %sign3A_100 = arith.extui %sign3A_99 : i1 to i32
      %sign3A_101 = arith.subi %sign3A_97, %sign3A_100 : i32
      %ne3A = arith.cmpi ne, %sign3A_94, %sign3A_101 : i32
      %rem3A = arith.remsi %add3A_85, %jit3A_88 : i32
      %ne3A_102 = arith.constant 0 : i32
      %ne3A_103 = arith.cmpi ne, %rem3A, %ne3A_102 : i32
      %and3A = arith.andi %ne3A, %ne3A_103 : i1
      %sub3A_104 = arith.constant 1 : i32
      %sub3A_105 = arith.subi %div3A, %sub3A_104 : i32
      %select_n3A_106 = arith.select %and3A, %sub3A_105, %div3A : i32
      %add3A_107 = arith.addi %mul3A_18, %select_n3A_106 : i32
      %mul3A_108 = arith.constant 262144 : i32
      %mul3A_109 = arith.muli %add3A_107, %mul3A_108 : i32
      %get3A_110 = arith.index_cast %mul3A_87 : i32 to index
      %get3A_111 = tpu.vector_load %arg12[%get3A_110] {strides = array<i32>} : memref<8192xi32, #tpu.memory_space<vmem>>, vector<16xi32>,
      %mul3A_112 = arith.constant 512 : i32
      %mul3A_113 = vector.broadcast %mul3A_112 : i32 to vector<16xi32>
      %mul3A_114 = arith.muli %get3A_111, %mul3A_113 : vector<16xi32>
      %add3A_115 = vector.broadcast %mul3A_109 : i32 to vector<16xi32>
      %add3A_116 = arith.addi %add3A_115, %mul3A_114 : vector<16xi32>
      %get3A_117 = arith.index_cast %mul3A_87 : i32 to index
      %get3A_118 = tpu.vector_load %arg13[%get3A_117] {strides = array<i32>} : memref<8192xi32, #tpu.memory_space<vmem>>, vector<16xi32>,
      %add3A_119 = arith.addi %add3A_116, %get3A_118 : vector<16xi32>
      %swap3A_120 = arith.index_cast %scan3A_81 : i32 to index
      %swap3A_121 = arith.constant 0 : index
      %swap3A_122 = tpu.vector_load %arg16[%swap3A_120, %swap3A_121] {strides = array<i32>} : memref<64x128xi32, #tpu.memory_space<vmem>>, vector<16xi32>,
      tpu.vector_store %arg16[%swap3A_120, %swap3A_121], %add3A_119 {strides = array<i32>} : memref<64x128xi32, #tpu.memory_space<vmem>>, vector<16xi32>,
      %get3A_123 = arith.index_cast %mul3A_87 : i32 to index
      %get3A_124 = tpu.vector_load %arg14[%get3A_123] {strides = array<i32>} : memref<8192xi32, #tpu.memory_space<vmem>>, vector<16xi32>,
      %mul3A_125 = arith.constant 512 : i32
      %mul3A_126 = vector.broadcast %mul3A_125 : i32 to vector<16xi32>
      %mul3A_127 = arith.muli %get3A_124, %mul3A_126 : vector<16xi32>
      %add3A_128 = vector.broadcast %mul3A_109 : i32 to vector<16xi32>
      %add3A_129 = arith.addi %add3A_128, %mul3A_127 : vector<16xi32>
      %get3A_130 = arith.index_cast %mul3A_87 : i32 to index
      %get3A_131 = tpu.vector_load %arg15[%get3A_130] {strides = array<i32>} : memref<8192xi32, #tpu.memory_space<vmem>>, vector<16xi32>,
      %add3A_132 = arith.addi %add3A_129, %get3A_131 : vector<16xi32>
      %swap3A_133 = arith.index_cast %scan3A_81 : i32 to index
      %swap3A_134 = arith.constant 0 : index
      %swap3A_135 = tpu.vector_load %arg17[%swap3A_133, %swap3A_134] {strides = array<i32>} : memref<64x128xi32, #tpu.memory_space<vmem>>, vector<16xi32>,
      tpu.vector_store %arg17[%swap3A_133, %swap3A_134], %add3A_132 {strides = array<i32>} : memref<64x128xi32, #tpu.memory_space<vmem>>, vector<16xi32>,
      %mul3A_136 = arith.constant 8 : i32
      %mul3A_137 = arith.muli %scan3A_81, %mul3A_136 : i32
      %add3A_138 = arith.constant 1 : i32
      %add3A_139 = arith.addi %mul3A_137, %add3A_138 : i32
      %mul3A_140 = arith.constant 16 : i32
      %mul3A_141 = arith.muli %add3A_139, %mul3A_140 : i32
      %jit3A_142 = arith.constant 256 : i32
      %div3A_143 = arith.divsi %add3A_139, %jit3A_142 : i32
      %sign3A_144 = arith.constant 0 : i32
      %sign3A_145 = arith.cmpi sgt, %add3A_139, %sign3A_144 : i32
      %sign3A_146 = arith.extui %sign3A_145 : i1 to i32
      %sign3A_147 = arith.constant 0 : i32
      %sign3A_148 = arith.cmpi slt, %add3A_139, %sign3A_147 : i32
      %sign3A_149 = arith.extui %sign3A_148 : i1 to i32
      %sign3A_150 = arith.subi %sign3A_146, %sign3A_149 : i32
      %sign3A_151 = arith.constant 0 : i32
      %sign3A_152 = arith.cmpi sgt, %jit3A_142, %sign3A_151 : i32
      %sign3A_153 = arith.extui %sign3A_152 : i1 to i32
      %sign3A_154 = arith.constant 0 : i32
      %sign3A_155 = arith.cmpi slt, %jit3A_142, %sign3A_154 : i32
      %sign3A_156 = arith.extui %sign3A_155 : i1 to i32
      %sign3A_157 = arith.subi %sign3A_153, %sign3A_156 : i32
      %ne3A_158 = arith.cmpi ne, %sign3A_150, %sign3A_157 : i32
      %rem3A_159 = arith.remsi %add3A_139, %jit3A_142 : i32
      %ne3A_160 = arith.constant 0 : i32
      %ne3A_161 = arith.cmpi ne, %rem3A_159, %ne3A_160 : i32
      %and3A_162 = arith.andi %ne3A_158, %ne3A_161 : i1
      %sub3A_163 = arith.constant 1 : i32
      %sub3A_164 = arith.subi %div3A_143, %sub3A_163 : i32
      %select_n3A_165 = arith.select %and3A_162, %sub3A_164, %div3A_143 : i32
      %add3A_166 = arith.addi %mul3A_18, %select_n3A_165 : i32
      %mul3A_167 = arith.constant 262144 : i32
      %mul3A_168 = arith.muli %add3A_166, %mul3A_167 : i32
      %get3A_169 = arith.index_cast %mul3A_141 : i32 to index
      %get3A_170 = tpu.vector_load %arg12[%get3A_169] {strides = array<i32>} : memref<8192xi32, #tpu.memory_space<vmem>>, vector<16xi32>,
      %mul3A_171 = arith.constant 512 : i32
      %mul3A_172 = vector.broadcast %mul3A_171 : i32 to vector<16xi32>
      %mul3A_173 = arith.muli %get3A_170, %mul3A_172 : vector<16xi32>
      %add3A_174 = vector.broadcast %mul3A_168 : i32 to vector<16xi32>
      %add3A_175 = arith.addi %add3A_174, %mul3A_173 : vector<16xi32>
      %get3A_176 = arith.index_cast %mul3A_141 : i32 to index
      %get3A_177 = tpu.vector_load %arg13[%get3A_176] {strides = array<i32>} : memref<8192xi32, #tpu.memory_space<vmem>>, vector<16xi32>,
      %add3A_178 = arith.addi %add3A_175, %get3A_177 : vector<16xi32>
      %swap3A_179 = arith.index_cast %scan3A_81 : i32 to index
      %swap3A_180 = arith.constant 16 : index
      %swap3A_181 = tpu.vector_load %arg16[%swap3A_179, %swap3A_180] {strides = array<i32>} : memref<64x128xi32, #tpu.memory_space<vmem>>, vector<16xi32>,
      tpu.vector_store %arg16[%swap3A_179, %swap3A_180], %add3A_178 {strides = array<i32>} : memref<64x128xi32, #tpu.memory_space<vmem>>, vector<16xi32>,
      %get3A_182 = arith.index_cast %mul3A_141 : i32 to index
      %get3A_183 = tpu.vector_load %arg14[%get3A_182] {strides = array<i32>} : memref<8192xi32, #tpu.memory_space<vmem>>, vector<16xi32>,
      %mul3A_184 = arith.constant 512 : i32
      %mul3A_185 = vector.broadcast %mul3A_184 : i32 to vector<16xi32>
      %mul3A_186 = arith.muli %get3A_183, %mul3A_185 : vector<16xi32>
      %add3A_187 = vector.broadcast %mul3A_168 : i32 to vector<16xi32>
      %add3A_188 = arith.addi %add3A_187, %mul3A_186 : vector<16xi32>
      %get3A_189 = arith.index_cast %mul3A_141 : i32 to index
      %get3A_190 = tpu.vector_load %arg15[%get3A_189] {strides = array<i32>} : memref<8192xi32, #tpu.memory_space<vmem>>, vector<16xi32>,
      %add3A_191 = arith.addi %add3A_188, %get3A_190 : vector<16xi32>
      %swap3A_192 = arith.index_cast %scan3A_81 : i32 to index
      %swap3A_193 = arith.constant 16 : index
      %swap3A_194 = tpu.vector_load %arg17[%swap3A_192, %swap3A_193] {strides = array<i32>} : memref<64x128xi32, #tpu.memory_space<vmem>>, vector<16xi32>,
      tpu.vector_store %arg17[%swap3A_192, %swap3A_193], %add3A_191 {strides = array<i32>} : memref<64x128xi32, #tpu.memory_space<vmem>>, vector<16xi32>,
      %mul3A_195 = arith.constant 8 : i32
      %mul3A_196 = arith.muli %scan3A_81, %mul3A_195 : i32
      %add3A_197 = arith.constant 2 : i32
      %add3A_198 = arith.addi %mul3A_196, %add3A_197 : i32
      %mul3A_199 = arith.constant 16 : i32
      %mul3A_200 = arith.muli %add3A_198, %mul3A_199 : i32
      %jit3A_201 = arith.constant 256 : i32
      %div3A_202 = arith.divsi %add3A_198, %jit3A_201 : i32
      %sign3A_203 = arith.constant 0 : i32
      %sign3A_204 = arith.cmpi sgt, %add3A_198, %sign3A_203 : i32
      %sign3A_205 = arith.extui %sign3A_204 : i1 to i32
      %sign3A_206 = arith.constant 0 : i32
      %sign3A_207 = arith.cmpi slt, %add3A_198, %sign3A_206 : i32
      %sign3A_208 = arith.extui %sign3A_207 : i1 to i32
      %sign3A_209 = arith.subi %sign3A_205, %sign3A_208 : i32
      %sign3A_210 = arith.constant 0 : i32
      %sign3A_211 = arith.cmpi sgt, %jit3A_201, %sign3A_210 : i32
      %sign3A_212 = arith.extui %sign3A_211 : i1 to i32
      %sign3A_213 = arith.constant 0 : i32
      %sign3A_214 = arith.cmpi slt, %jit3A_201, %sign3A_213 : i32
      %sign3A_215 = arith.extui %sign3A_214 : i1 to i32
      %sign3A_216 = arith.subi %sign3A_212, %sign3A_215 : i32
      %ne3A_217 = arith.cmpi ne, %sign3A_209, %sign3A_216 : i32
      %rem3A_218 = arith.remsi %add3A_198, %jit3A_201 : i32
      %ne3A_219 = arith.constant 0 : i32
      %ne3A_220 = arith.cmpi ne, %rem3A_218, %ne3A_219 : i32
      %and3A_221 = arith.andi %ne3A_217, %ne3A_220 : i1
      %sub3A_222 = arith.constant 1 : i32
      %sub3A_223 = arith.subi %div3A_202, %sub3A_222 : i32
      %select_n3A_224 = arith.select %and3A_221, %sub3A_223, %div3A_202 : i32
      %add3A_225 = arith.addi %mul3A_18, %select_n3A_224 : i32
      %mul3A_226 = arith.constant 262144 : i32
      %mul3A_227 = arith.muli %add3A_225, %mul3A_226 : i32
      %get3A_228 = arith.index_cast %mul3A_200 : i32 to index
      %get3A_229 = tpu.vector_load %arg12[%get3A_228] {strides = array<i32>} : memref<8192xi32, #tpu.memory_space<vmem>>, vector<16xi32>,
      %mul3A_230 = arith.constant 512 : i32
      %mul3A_231 = vector.broadcast %mul3A_230 : i32 to vector<16xi32>
      %mul3A_232 = arith.muli %get3A_229, %mul3A_231 : vector<16xi32>
      %add3A_233 = vector.broadcast %mul3A_227 : i32 to vector<16xi32>
      %add3A_234 = arith.addi %add3A_233, %mul3A_232 : vector<16xi32>
      %get3A_235 = arith.index_cast %mul3A_200 : i32 to index
      %get3A_236 = tpu.vector_load %arg13[%get3A_235] {strides = array<i32>} : memref<8192xi32, #tpu.memory_space<vmem>>, vector<16xi32>,
      %add3A_237 = arith.addi %add3A_234, %get3A_236 : vector<16xi32>
      %swap3A_238 = arith.index_cast %scan3A_81 : i32 to index
      %swap3A_239 = arith.constant 32 : index
      %swap3A_240 = tpu.vector_load %arg16[%swap3A_238, %swap3A_239] {strides = array<i32>} : memref<64x128xi32, #tpu.memory_space<vmem>>, vector<16xi32>,
      tpu.vector_store %arg16[%swap3A_238, %swap3A_239], %add3A_237 {strides = array<i32>} : memref<64x128xi32, #tpu.memory_space<vmem>>, vector<16xi32>,
      %get3A_241 = arith.index_cast %mul3A_200 : i32 to index
      %get3A_242 = tpu.vector_load %arg14[%get3A_241] {strides = array<i32>} : memref<8192xi32, #tpu.memory_space<vmem>>, vector<16xi32>,
      %mul3A_243 = arith.constant 512 : i32
      %mul3A_244 = vector.broadcast %mul3A_243 : i32 to vector<16xi32>
      %mul3A_245 = arith.muli %get3A_242, %mul3A_244 : vector<16xi32>
      %add3A_246 = vector.broadcast %mul3A_227 : i32 to vector<16xi32>
      %add3A_247 = arith.addi %add3A_246, %mul3A_245 : vector<16xi32>
      %get3A_248 = arith.index_cast %mul3A_200 : i32 to index
      %get3A_249 = tpu.vector_load %arg15[%get3A_248] {strides = array<i32>} : memref<8192xi32, #tpu.memory_space<vmem>>, vector<16xi32>,
      %add3A_250 = arith.addi %add3A_247, %get3A_249 : vector<16xi32>
      %swap3A_251 = arith.index_cast %scan3A_81 : i32 to index
      %swap3A_252 = arith.constant 32 : index
      %swap3A_253 = tpu.vector_load %arg17[%swap3A_251, %swap3A_252] {strides = array<i32>} : memref<64x128xi32, #tpu.memory_space<vmem>>, vector<16xi32>,
      tpu.vector_store %arg17[%swap3A_251, %swap3A_252], %add3A_250 {strides = array<i32>} : memref<64x128xi32, #tpu.memory_space<vmem>>, vector<16xi32>,
      %mul3A_254 = arith.constant 8 : i32
      %mul3A_255 = arith.muli %scan3A_81, %mul3A_254 : i32
      %add3A_256 = arith.constant 3 : i32
      %add3A_257 = arith.addi %mul3A_255, %add3A_256 : i32
      %mul3A_258 = arith.constant 16 : i32
      %mul3A_259 = arith.muli %add3A_257, %mul3A_258 : i32
      %jit3A_260 = arith.constant 256 : i32
      %div3A_261 = arith.divsi %add3A_257, %jit3A_260 : i32
      %sign3A_262 = arith.constant 0 : i32
      %sign3A_263 = arith.cmpi sgt, %add3A_257, %sign3A_262 : i32
      %sign3A_264 = arith.extui %sign3A_263 : i1 to i32
      %sign3A_265 = arith.constant 0 : i32
      %sign3A_266 = arith.cmpi slt, %add3A_257, %sign3A_265 : i32
      %sign3A_267 = arith.extui %sign3A_266 : i1 to i32
      %sign3A_268 = arith.subi %sign3A_264, %sign3A_267 : i32
      %sign3A_269 = arith.constant 0 : i32
      %sign3A_270 = arith.cmpi sgt, %jit3A_260, %sign3A_269 : i32
      %sign3A_271 = arith.extui %sign3A_270 : i1 to i32
      %sign3A_272 = arith.constant 0 : i32
      %sign3A_273 = arith.cmpi slt, %jit3A_260, %sign3A_272 : i32
      %sign3A_274 = arith.extui %sign3A_273 : i1 to i32
      %sign3A_275 = arith.subi %sign3A_271, %sign3A_274 : i32
      %ne3A_276 = arith.cmpi ne, %sign3A_268, %sign3A_275 : i32
      %rem3A_277 = arith.remsi %add3A_257, %jit3A_260 : i32
      %ne3A_278 = arith.constant 0 : i32
      %ne3A_279 = arith.cmpi ne, %rem3A_277, %ne3A_278 : i32
      %and3A_280 = arith.andi %ne3A_276, %ne3A_279 : i1
      %sub3A_281 = arith.constant 1 : i32
      %sub3A_282 = arith.subi %div3A_261, %sub3A_281 : i32
      %select_n3A_283 = arith.select %and3A_280, %sub3A_282, %div3A_261 : i32
      %add3A_284 = arith.addi %mul3A_18, %select_n3A_283 : i32
      %mul3A_285 = arith.constant 262144 : i32
      %mul3A_286 = arith.muli %add3A_284, %mul3A_285 : i32
      %get3A_287 = arith.index_cast %mul3A_259 : i32 to index
      %get3A_288 = tpu.vector_load %arg12[%get3A_287] {strides = array<i32>} : memref<8192xi32, #tpu.memory_space<vmem>>, vector<16xi32>,
      %mul3A_289 = arith.constant 512 : i32
      %mul3A_290 = vector.broadcast %mul3A_289 : i32 to vector<16xi32>
      %mul3A_291 = arith.muli %get3A_288, %mul3A_290 : vector<16xi32>
      %add3A_292 = vector.broadcast %mul3A_286 : i32 to vector<16xi32>
      %add3A_293 = arith.addi %add3A_292, %mul3A_291 : vector<16xi32>
      %get3A_294 = arith.index_cast %mul3A_259 : i32 to index
      %get3A_295 = tpu.vector_load %arg13[%get3A_294] {strides = array<i32>} : memref<8192xi32, #tpu.memory_space<vmem>>, vector<16xi32>,
      %add3A_296 = arith.addi %add3A_293, %get3A_295 : vector<16xi32>
      %swap3A_297 = arith.index_cast %scan3A_81 : i32 to index
      %swap3A_298 = arith.constant 48 : index
      %swap3A_299 = tpu.vector_load %arg16[%swap3A_297, %swap3A_298] {strides = array<i32>} : memref<64x128xi32, #tpu.memory_space<vmem>>, vector<16xi32>,
      tpu.vector_store %arg16[%swap3A_297, %swap3A_298], %add3A_296 {strides = array<i32>} : memref<64x128xi32, #tpu.memory_space<vmem>>, vector<16xi32>,
      %get3A_300 = arith.index_cast %mul3A_259 : i32 to index
      %get3A_301 = tpu.vector_load %arg14[%get3A_300] {strides = array<i32>} : memref<8192xi32, #tpu.memory_space<vmem>>, vector<16xi32>,
      %mul3A_302 = arith.constant 512 : i32
      %mul3A_303 = vector.broadcast %mul3A_302 : i32 to vector<16xi32>
      %mul3A_304 = arith.muli %get3A_301, %mul3A_303 : vector<16xi32>
      %add3A_305 = vector.broadcast %mul3A_286 : i32 to vector<16xi32>
      %add3A_306 = arith.addi %add3A_305, %mul3A_304 : vector<16xi32>
      %get3A_307 = arith.index_cast %mul3A_259 : i32 to index
      %get3A_308 = tpu.vector_load %arg15[%get3A_307] {strides = array<i32>} : memref<8192xi32, #tpu.memory_space<vmem>>, vector<16xi32>,
      %add3A_309 = arith.addi %add3A_306, %get3A_308 : vector<16xi32>
      %swap3A_310 = arith.index_cast %scan3A_81 : i32 to index
      %swap3A_311 = arith.constant 48 : index
      %swap3A_312 = tpu.vector_load %arg17[%swap3A_310, %swap3A_311] {strides = array<i32>} : memref<64x128xi32, #tpu.memory_space<vmem>>, vector<16xi32>,
      tpu.vector_store %arg17[%swap3A_310, %swap3A_311], %add3A_309 {strides = array<i32>} : memref<64x128xi32, #tpu.memory_space<vmem>>, vector<16xi32>,
      %mul3A_313 = arith.constant 8 : i32
      %mul3A_314 = arith.muli %scan3A_81, %mul3A_313 : i32
      %add3A_315 = arith.constant 4 : i32
      %add3A_316 = arith.addi %mul3A_314, %add3A_315 : i32
      %mul3A_317 = arith.constant 16 : i32
      %mul3A_318 = arith.muli %add3A_316, %mul3A_317 : i32
      %jit3A_319 = arith.constant 256 : i32
      %div3A_320 = arith.divsi %add3A_316, %jit3A_319 : i32
      %sign3A_321 = arith.constant 0 : i32
      %sign3A_322 = arith.cmpi sgt, %add3A_316, %sign3A_321 : i32
      %sign3A_323 = arith.extui %sign3A_322 : i1 to i32
      %sign3A_324 = arith.constant 0 : i32
      %sign3A_325 = arith.cmpi slt, %add3A_316, %sign3A_324 : i32
      %sign3A_326 = arith.extui %sign3A_325 : i1 to i32
      %sign3A_327 = arith.subi %sign3A_323, %sign3A_326 : i32
      %sign3A_328 = arith.constant 0 : i32
      %sign3A_329 = arith.cmpi sgt, %jit3A_319, %sign3A_328 : i32
      %sign3A_330 = arith.extui %sign3A_329 : i1 to i32
      %sign3A_331 = arith.constant 0 : i32
      %sign3A_332 = arith.cmpi slt, %jit3A_319, %sign3A_331 : i32
      %sign3A_333 = arith.extui %sign3A_332 : i1 to i32
      %sign3A_334 = arith.subi %sign3A_330, %sign3A_333 : i32
      %ne3A_335 = arith.cmpi ne, %sign3A_327, %sign3A_334 : i32
      %rem3A_336 = arith.remsi %add3A_316, %jit3A_319 : i32
      %ne3A_337 = arith.constant 0 : i32
      %ne3A_338 = arith.cmpi ne, %rem3A_336, %ne3A_337 : i32
      %and3A_339 = arith.andi %ne3A_335, %ne3A_338 : i1
      %sub3A_340 = arith.constant 1 : i32
      %sub3A_341 = arith.subi %div3A_320, %sub3A_340 : i32
      %select_n3A_342 = arith.select %and3A_339, %sub3A_341, %div3A_320 : i32
      %add3A_343 = arith.addi %mul3A_18, %select_n3A_342 : i32
      %mul3A_344 = arith.constant 262144 : i32
      %mul3A_345 = arith.muli %add3A_343, %mul3A_344 : i32
      %get3A_346 = arith.index_cast %mul3A_318 : i32 to index
      %get3A_347 = tpu.vector_load %arg12[%get3A_346] {strides = array<i32>} : memref<8192xi32, #tpu.memory_space<vmem>>, vector<16xi32>,
      %mul3A_348 = arith.constant 512 : i32
      %mul3A_349 = vector.broadcast %mul3A_348 : i32 to vector<16xi32>
      %mul3A_350 = arith.muli %get3A_347, %mul3A_349 : vector<16xi32>
      %add3A_351 = vector.broadcast %mul3A_345 : i32 to vector<16xi32>
      %add3A_352 = arith.addi %add3A_351, %mul3A_350 : vector<16xi32>
      %get3A_353 = arith.index_cast %mul3A_318 : i32 to index
      %get3A_354 = tpu.vector_load %arg13[%get3A_353] {strides = array<i32>} : memref<8192xi32, #tpu.memory_space<vmem>>, vector<16xi32>,
      %add3A_355 = arith.addi %add3A_352, %get3A_354 : vector<16xi32>
      %swap3A_356 = arith.index_cast %scan3A_81 : i32 to index
      %swap3A_357 = arith.constant 64 : index
      %swap3A_358 = tpu.vector_load %arg16[%swap3A_356, %swap3A_357] {strides = array<i32>} : memref<64x128xi32, #tpu.memory_space<vmem>>, vector<16xi32>,
      tpu.vector_store %arg16[%swap3A_356, %swap3A_357], %add3A_355 {strides = array<i32>} : memref<64x128xi32, #tpu.memory_space<vmem>>, vector<16xi32>,
      %get3A_359 = arith.index_cast %mul3A_318 : i32 to index
      %get3A_360 = tpu.vector_load %arg14[%get3A_359] {strides = array<i32>} : memref<8192xi32, #tpu.memory_space<vmem>>, vector<16xi32>,
      %mul3A_361 = arith.constant 512 : i32
      %mul3A_362 = vector.broadcast %mul3A_361 : i32 to vector<16xi32>
      %mul3A_363 = arith.muli %get3A_360, %mul3A_362 : vector<16xi32>
      %add3A_364 = vector.broadcast %mul3A_345 : i32 to vector<16xi32>
      %add3A_365 = arith.addi %add3A_364, %mul3A_363 : vector<16xi32>
      %get3A_366 = arith.index_cast %mul3A_318 : i32 to index
      %get3A_367 = tpu.vector_load %arg15[%get3A_366] {strides = array<i32>} : memref<8192xi32, #tpu.memory_space<vmem>>, vector<16xi32>,
      %add3A_368 = arith.addi %add3A_365, %get3A_367 : vector<16xi32>
      %swap3A_369 = arith.index_cast %scan3A_81 : i32 to index
      %swap3A_370 = arith.constant 64 : index
      %swap3A_371 = tpu.vector_load %arg17[%swap3A_369, %swap3A_370] {strides = array<i32>} : memref<64x128xi32, #tpu.memory_space<vmem>>, vector<16xi32>,
      tpu.vector_store %arg17[%swap3A_369, %swap3A_370], %add3A_368 {strides = array<i32>} : memref<64x128xi32, #tpu.memory_space<vmem>>, vector<16xi32>,
      %mul3A_372 = arith.constant 8 : i32
      %mul3A_373 = arith.muli %scan3A_81, %mul3A_372 : i32
      %add3A_374 = arith.constant 5 : i32
      %add3A_375 = arith.addi %mul3A_373, %add3A_374 : i32
      %mul3A_376 = arith.constant 16 : i32
      %mul3A_377 = arith.muli %add3A_375, %mul3A_376 : i32
      %jit3A_378 = arith.constant 256 : i32
      %div3A_379 = arith.divsi %add3A_375, %jit3A_378 : i32
      %sign3A_380 = arith.constant 0 : i32
      %sign3A_381 = arith.cmpi sgt, %add3A_375, %sign3A_380 : i32
      %sign3A_382 = arith.extui %sign3A_381 : i1 to i32
      %sign3A_383 = arith.constant 0 : i32
      %sign3A_384 = arith.cmpi slt, %add3A_375, %sign3A_383 : i32
      %sign3A_385 = arith.extui %sign3A_384 : i1 to i32
      %sign3A_386 = arith.subi %sign3A_382, %sign3A_385 : i32
      %sign3A_387 = arith.constant 0 : i32
      %sign3A_388 = arith.cmpi sgt, %jit3A_378, %sign3A_387 : i32
      %sign3A_389 = arith.extui %sign3A_388 : i1 to i32
      %sign3A_390 = arith.constant 0 : i32
      %sign3A_391 = arith.cmpi slt, %jit3A_378, %sign3A_390 : i32
      %sign3A_392 = arith.extui %sign3A_391 : i1 to i32
      %sign3A_393 = arith.subi %sign3A_389, %sign3A_392 : i32
      %ne3A_394 = arith.cmpi ne, %sign3A_386, %sign3A_393 : i32
      %rem3A_395 = arith.remsi %add3A_375, %jit3A_378 : i32
      %ne3A_396 = arith.constant 0 : i32
      %ne3A_397 = arith.cmpi ne, %rem3A_395, %ne3A_396 : i32
      %and3A_398 = arith.andi %ne3A_394, %ne3A_397 : i1
      %sub3A_399 = arith.constant 1 : i32
      %sub3A_400 = arith.subi %div3A_379, %sub3A_399 : i32
      %select_n3A_401 = arith.select %and3A_398, %sub3A_400, %div3A_379 : i32
      %add3A_402 = arith.addi %mul3A_18, %select_n3A_401 : i32
      %mul3A_403 = arith.constant 262144 : i32
      %mul3A_404 = arith.muli %add3A_402, %mul3A_403 : i32
      %get3A_405 = arith.index_cast %mul3A_377 : i32 to index
      %get3A_406 = tpu.vector_load %arg12[%get3A_405] {strides = array<i32>} : memref<8192xi32, #tpu.memory_space<vmem>>, vector<16xi32>,
      %mul3A_407 = arith.constant 512 : i32
      %mul3A_408 = vector.broadcast %mul3A_407 : i32 to vector<16xi32>
      %mul3A_409 = arith.muli %get3A_406, %mul3A_408 : vector<16xi32>
      %add3A_410 = vector.broadcast %mul3A_404 : i32 to vector<16xi32>
      %add3A_411 = arith.addi %add3A_410, %mul3A_409 : vector<16xi32>
      %get3A_412 = arith.index_cast %mul3A_377 : i32 to index
      %get3A_413 = tpu.vector_load %arg13[%get3A_412] {strides = array<i32>} : memref<8192xi32, #tpu.memory_space<vmem>>, vector<16xi32>,
      %add3A_414 = arith.addi %add3A_411, %get3A_413 : vector<16xi32>
      %swap3A_415 = arith.index_cast %scan3A_81 : i32 to index
      %swap3A_416 = arith.constant 80 : index
      %swap3A_417 = tpu.vector_load %arg16[%swap3A_415, %swap3A_416] {strides = array<i32>} : memref<64x128xi32, #tpu.memory_space<vmem>>, vector<16xi32>,
      tpu.vector_store %arg16[%swap3A_415, %swap3A_416], %add3A_414 {strides = array<i32>} : memref<64x128xi32, #tpu.memory_space<vmem>>, vector<16xi32>,
      %get3A_418 = arith.index_cast %mul3A_377 : i32 to index
      %get3A_419 = tpu.vector_load %arg14[%get3A_418] {strides = array<i32>} : memref<8192xi32, #tpu.memory_space<vmem>>, vector<16xi32>,
      %mul3A_420 = arith.constant 512 : i32
      %mul3A_421 = vector.broadcast %mul3A_420 : i32 to vector<16xi32>
      %mul3A_422 = arith.muli %get3A_419, %mul3A_421 : vector<16xi32>
      %add3A_423 = vector.broadcast %mul3A_404 : i32 to vector<16xi32>
      %add3A_424 = arith.addi %add3A_423, %mul3A_422 : vector<16xi32>
      %get3A_425 = arith.index_cast %mul3A_377 : i32 to index
      %get3A_426 = tpu.vector_load %arg15[%get3A_425] {strides = array<i32>} : memref<8192xi32, #tpu.memory_space<vmem>>, vector<16xi32>,
      %add3A_427 = arith.addi %add3A_424, %get3A_426 : vector<16xi32>
      %swap3A_428 = arith.index_cast %scan3A_81 : i32 to index
      %swap3A_429 = arith.constant 80 : index
      %swap3A_430 = tpu.vector_load %arg17[%swap3A_428, %swap3A_429] {strides = array<i32>} : memref<64x128xi32, #tpu.memory_space<vmem>>, vector<16xi32>,
      tpu.vector_store %arg17[%swap3A_428, %swap3A_429], %add3A_427 {strides = array<i32>} : memref<64x128xi32, #tpu.memory_space<vmem>>, vector<16xi32>,
      %mul3A_431 = arith.constant 8 : i32
      %mul3A_432 = arith.muli %scan3A_81, %mul3A_431 : i32
      %add3A_433 = arith.constant 6 : i32
      %add3A_434 = arith.addi %mul3A_432, %add3A_433 : i32
      %mul3A_435 = arith.constant 16 : i32
      %mul3A_436 = arith.muli %add3A_434, %mul3A_435 : i32
      %jit3A_437 = arith.constant 256 : i32
      %div3A_438 = arith.divsi %add3A_434, %jit3A_437 : i32
      %sign3A_439 = arith.constant 0 : i32
      %sign3A_440 = arith.cmpi sgt, %add3A_434, %sign3A_439 : i32
      %sign3A_441 = arith.extui %sign3A_440 : i1 to i32
      %sign3A_442 = arith.constant 0 : i32
      %sign3A_443 = arith.cmpi slt, %add3A_434, %sign3A_442 : i32
      %sign3A_444 = arith.extui %sign3A_443 : i1 to i32
      %sign3A_445 = arith.subi %sign3A_441, %sign3A_444 : i32
      %sign3A_446 = arith.constant 0 : i32
      %sign3A_447 = arith.cmpi sgt, %jit3A_437, %sign3A_446 : i32
      %sign3A_448 = arith.extui %sign3A_447 : i1 to i32
      %sign3A_449 = arith.constant 0 : i32
      %sign3A_450 = arith.cmpi slt, %jit3A_437, %sign3A_449 : i32
      %sign3A_451 = arith.extui %sign3A_450 : i1 to i32
      %sign3A_452 = arith.subi %sign3A_448, %sign3A_451 : i32
      %ne3A_453 = arith.cmpi ne, %sign3A_445, %sign3A_452 : i32
      %rem3A_454 = arith.remsi %add3A_434, %jit3A_437 : i32
      %ne3A_455 = arith.constant 0 : i32
      %ne3A_456 = arith.cmpi ne, %rem3A_454, %ne3A_455 : i32
      %and3A_457 = arith.andi %ne3A_453, %ne3A_456 : i1
      %sub3A_458 = arith.constant 1 : i32
      %sub3A_459 = arith.subi %div3A_438, %sub3A_458 : i32
      %select_n3A_460 = arith.select %and3A_457, %sub3A_459, %div3A_438 : i32
      %add3A_461 = arith.addi %mul3A_18, %select_n3A_460 : i32
      %mul3A_462 = arith.constant 262144 : i32
      %mul3A_463 = arith.muli %add3A_461, %mul3A_462 : i32
      %get3A_464 = arith.index_cast %mul3A_436 : i32 to index
      %get3A_465 = tpu.vector_load %arg12[%get3A_464] {strides = array<i32>} : memref<8192xi32, #tpu.memory_space<vmem>>, vector<16xi32>,
      %mul3A_466 = arith.constant 512 : i32
      %mul3A_467 = vector.broadcast %mul3A_466 : i32 to vector<16xi32>
      %mul3A_468 = arith.muli %get3A_465, %mul3A_467 : vector<16xi32>
      %add3A_469 = vector.broadcast %mul3A_463 : i32 to vector<16xi32>
      %add3A_470 = arith.addi %add3A_469, %mul3A_468 : vector<16xi32>
      %get3A_471 = arith.index_cast %mul3A_436 : i32 to index
      %get3A_472 = tpu.vector_load %arg13[%get3A_471] {strides = array<i32>} : memref<8192xi32, #tpu.memory_space<vmem>>, vector<16xi32>,
      %add3A_473 = arith.addi %add3A_470, %get3A_472 : vector<16xi32>
      %swap3A_474 = arith.index_cast %scan3A_81 : i32 to index
      %swap3A_475 = arith.constant 96 : index
      %swap3A_476 = tpu.vector_load %arg16[%swap3A_474, %swap3A_475] {strides = array<i32>} : memref<64x128xi32, #tpu.memory_space<vmem>>, vector<16xi32>,
      tpu.vector_store %arg16[%swap3A_474, %swap3A_475], %add3A_473 {strides = array<i32>} : memref<64x128xi32, #tpu.memory_space<vmem>>, vector<16xi32>,
      %get3A_477 = arith.index_cast %mul3A_436 : i32 to index
      %get3A_478 = tpu.vector_load %arg14[%get3A_477] {strides = array<i32>} : memref<8192xi32, #tpu.memory_space<vmem>>, vector<16xi32>,
      %mul3A_479 = arith.constant 512 : i32
      %mul3A_480 = vector.broadcast %mul3A_479 : i32 to vector<16xi32>
      %mul3A_481 = arith.muli %get3A_478, %mul3A_480 : vector<16xi32>
      %add3A_482 = vector.broadcast %mul3A_463 : i32 to vector<16xi32>
      %add3A_483 = arith.addi %add3A_482, %mul3A_481 : vector<16xi32>
      %get3A_484 = arith.index_cast %mul3A_436 : i32 to index
      %get3A_485 = tpu.vector_load %arg15[%get3A_484] {strides = array<i32>} : memref<8192xi32, #tpu.memory_space<vmem>>, vector<16xi32>,
      %add3A_486 = arith.addi %add3A_483, %get3A_485 : vector<16xi32>
      %swap3A_487 = arith.index_cast %scan3A_81 : i32 to index
      %swap3A_488 = arith.constant 96 : index
      %swap3A_489 = tpu.vector_load %arg17[%swap3A_487, %swap3A_488] {strides = array<i32>} : memref<64x128xi32, #tpu.memory_space<vmem>>, vector<16xi32>,
      tpu.vector_store %arg17[%swap3A_487, %swap3A_488], %add3A_486 {strides = array<i32>} : memref<64x128xi32, #tpu.memory_space<vmem>>, vector<16xi32>,
      %mul3A_490 = arith.constant 8 : i32
      %mul3A_491 = arith.muli %scan3A_81, %mul3A_490 : i32
      %add3A_492 = arith.constant 7 : i32
      %add3A_493 = arith.addi %mul3A_491, %add3A_492 : i32
      %mul3A_494 = arith.constant 16 : i32
      %mul3A_495 = arith.muli %add3A_493, %mul3A_494 : i32
      %jit3A_496 = arith.constant 256 : i32
      %div3A_497 = arith.divsi %add3A_493, %jit3A_496 : i32
      %sign3A_498 = arith.constant 0 : i32
      %sign3A_499 = arith.cmpi sgt, %add3A_493, %sign3A_498 : i32
      %sign3A_500 = arith.extui %sign3A_499 : i1 to i32
      %sign3A_501 = arith.constant 0 : i32
      %sign3A_502 = arith.cmpi slt, %add3A_493, %sign3A_501 : i32
      %sign3A_503 = arith.extui %sign3A_502 : i1 to i32
      %sign3A_504 = arith.subi %sign3A_500, %sign3A_503 : i32
      %sign3A_505 = arith.constant 0 : i32
      %sign3A_506 = arith.cmpi sgt, %jit3A_496, %sign3A_505 : i32
      %sign3A_507 = arith.extui %sign3A_506 : i1 to i32
      %sign3A_508 = arith.constant 0 : i32
      %sign3A_509 = arith.cmpi slt, %jit3A_496, %sign3A_508 : i32
      %sign3A_510 = arith.extui %sign3A_509 : i1 to i32
      %sign3A_511 = arith.subi %sign3A_507, %sign3A_510 : i32
      %ne3A_512 = arith.cmpi ne, %sign3A_504, %sign3A_511 : i32
      %rem3A_513 = arith.remsi %add3A_493, %jit3A_496 : i32
      %ne3A_514 = arith.constant 0 : i32
      %ne3A_515 = arith.cmpi ne, %rem3A_513, %ne3A_514 : i32
      %and3A_516 = arith.andi %ne3A_512, %ne3A_515 : i1
      %sub3A_517 = arith.constant 1 : i32
      %sub3A_518 = arith.subi %div3A_497, %sub3A_517 : i32
      %select_n3A_519 = arith.select %and3A_516, %sub3A_518, %div3A_497 : i32
      %add3A_520 = arith.addi %mul3A_18, %select_n3A_519 : i32
      %mul3A_521 = arith.constant 262144 : i32
      %mul3A_522 = arith.muli %add3A_520, %mul3A_521 : i32
      %get3A_523 = arith.index_cast %mul3A_495 : i32 to index
      %get3A_524 = tpu.vector_load %arg12[%get3A_523] {strides = array<i32>} : memref<8192xi32, #tpu.memory_space<vmem>>, vector<16xi32>,
      %mul3A_525 = arith.constant 512 : i32
      %mul3A_526 = vector.broadcast %mul3A_525 : i32 to vector<16xi32>
      %mul3A_527 = arith.muli %get3A_524, %mul3A_526 : vector<16xi32>
      %add3A_528 = vector.broadcast %mul3A_522 : i32 to vector<16xi32>
      %add3A_529 = arith.addi %add3A_528, %mul3A_527 : vector<16xi32>
      %get3A_530 = arith.index_cast %mul3A_495 : i32 to index
      %get3A_531 = tpu.vector_load %arg13[%get3A_530] {strides = array<i32>} : memref<8192xi32, #tpu.memory_space<vmem>>, vector<16xi32>,
      %add3A_532 = arith.addi %add3A_529, %get3A_531 : vector<16xi32>
      %swap3A_533 = arith.index_cast %scan3A_81 : i32 to index
      %swap3A_534 = arith.constant 112 : index
      %swap3A_535 = tpu.vector_load %arg16[%swap3A_533, %swap3A_534] {strides = array<i32>} : memref<64x128xi32, #tpu.memory_space<vmem>>, vector<16xi32>,
      tpu.vector_store %arg16[%swap3A_533, %swap3A_534], %add3A_532 {strides = array<i32>} : memref<64x128xi32, #tpu.memory_space<vmem>>, vector<16xi32>,
      %get3A_536 = arith.index_cast %mul3A_495 : i32 to index
      %get3A_537 = tpu.vector_load %arg14[%get3A_536] {strides = array<i32>} : memref<8192xi32, #tpu.memory_space<vmem>>, vector<16xi32>,
      %mul3A_538 = arith.constant 512 : i32
      %mul3A_539 = vector.broadcast %mul3A_538 : i32 to vector<16xi32>
      %mul3A_540 = arith.muli %get3A_537, %mul3A_539 : vector<16xi32>
      %add3A_541 = vector.broadcast %mul3A_522 : i32 to vector<16xi32>
      %add3A_542 = arith.addi %add3A_541, %mul3A_540 : vector<16xi32>
      %get3A_543 = arith.index_cast %mul3A_495 : i32 to index
      %get3A_544 = tpu.vector_load %arg15[%get3A_543] {strides = array<i32>} : memref<8192xi32, #tpu.memory_space<vmem>>, vector<16xi32>,
      %add3A_545 = arith.addi %add3A_542, %get3A_544 : vector<16xi32>
      %swap3A_546 = arith.index_cast %scan3A_81 : i32 to index
      %swap3A_547 = arith.constant 112 : index
      %swap3A_548 = tpu.vector_load %arg17[%swap3A_546, %swap3A_547] {strides = array<i32>} : memref<64x128xi32, #tpu.memory_space<vmem>>, vector<16xi32>,
      tpu.vector_store %arg17[%swap3A_546, %swap3A_547], %add3A_545 {strides = array<i32>} : memref<64x128xi32, #tpu.memory_space<vmem>>, vector<16xi32>,
      %mul3A_549 = arith.constant 128 : i32
      %mul3A_550 = arith.muli %scan3A_81, %mul3A_549 : i32
      %dma_start3A = tpu.memref_slice %arg18[%mul3A_550] : memref<8192xf32, #tpu.memory_space<vmem>> -> memref<128xf32, #tpu.memory_space<vmem>>
      %dma_start3A_551 = arith.constant 0 : i32
      %dma_start3A_552 = tpu.memref_slice %arg16[%scan3A_81, %dma_start3A_551] : memref<64x128xi32, #tpu.memory_space<vmem>> -> memref<1x128xi32, #tpu.memory_space<vmem>>
      %dma_start3A_553 = tpu.memref_squeeze %dma_start3A_552 : memref<1x128xi32, #tpu.memory_space<vmem>> -> memref<128xi32, #tpu.memory_space<vmem>>
      %dma_start3A_554 = arith.constant 0 : i32
      %dma_start3A_555 = tpu.memref_slice %arg2[%dma_start3A_554] : memref<8388608xf32, #tpu.memory_space<hbm>> -> memref<8388608xf32, #tpu.memory_space<hbm>>
      tpu.enqueue_indirect_dma source(%dma_start3A_555 : memref<8388608xf32, #tpu.memory_space<hbm>>) target(%dma_start3A : memref<128xf32, #tpu.memory_space<vmem>>) offsets(%dma_start3A_553 : memref<128xi32, #tpu.memory_space<vmem>>) semaphore(%arg21 : memref<!tpu.dma_semaphore, #tpu.memory_space<semaphore_mem>>)
      %mul3A_556 = arith.constant 128 : i32
      %mul3A_557 = arith.muli %scan3A_81, %mul3A_556 : i32
      %dma_start3A_558 = tpu.memref_slice %arg19[%mul3A_557] : memref<8192xf32, #tpu.memory_space<vmem>> -> memref<128xf32, #tpu.memory_space<vmem>>
      %dma_start3A_559 = arith.constant 0 : i32
      %dma_start3A_560 = tpu.memref_slice %arg17[%scan3A_81, %dma_start3A_559] : memref<64x128xi32, #tpu.memory_space<vmem>> -> memref<1x128xi32, #tpu.memory_space<vmem>>
      %dma_start3A_561 = tpu.memref_squeeze %dma_start3A_560 : memref<1x128xi32, #tpu.memory_space<vmem>> -> memref<128xi32, #tpu.memory_space<vmem>>
      %dma_start3A_562 = arith.constant 0 : i32
      %dma_start3A_563 = tpu.memref_slice %arg2[%dma_start3A_562] : memref<8388608xf32, #tpu.memory_space<hbm>> -> memref<8388608xf32, #tpu.memory_space<hbm>>
      tpu.enqueue_indirect_dma source(%dma_start3A_563 : memref<8388608xf32, #tpu.memory_space<hbm>>) target(%dma_start3A_558 : memref<128xf32, #tpu.memory_space<vmem>>) offsets(%dma_start3A_561 : memref<128xi32, #tpu.memory_space<vmem>>) semaphore(%arg21 : memref<!tpu.dma_semaphore, #tpu.memory_space<semaphore_mem>>)
    }
    %scan3A_23 = arith.constant 64 : i32
    %dma_wait3A_24 = arith.constant 0 : i32
    %dma_wait3A_25 = tpu.memref_slice %arg2[%dma_wait3A_24] : memref<8388608xf32, #tpu.memory_space<hbm>> -> memref<8192xf32, #tpu.memory_space<hbm>>
    %dma_wait3A_26 = arith.constant 0 : i32
    %dma_wait3A_27 = tpu.memref_slice %arg2[%dma_wait3A_26] : memref<8388608xf32, #tpu.memory_space<hbm>> -> memref<8192xf32, #tpu.memory_space<hbm>>
    tpu.wait_dma2 semaphore(%arg21 : memref<!tpu.dma_semaphore, #tpu.memory_space<semaphore_mem>>) src(%dma_wait3A_27 : memref<8192xf32, #tpu.memory_space<hbm>>) dst(%arg18 : memref<8192xf32, #tpu.memory_space<vmem>>)
    %dma_wait3A_28 = arith.constant 0 : i32
    %dma_wait3A_29 = tpu.memref_slice %arg2[%dma_wait3A_28] : memref<8388608xf32, #tpu.memory_space<hbm>> -> memref<8192xf32, #tpu.memory_space<hbm>>
    %dma_wait3A_30 = arith.constant 0 : i32
    %dma_wait3A_31 = tpu.memref_slice %arg2[%dma_wait3A_30] : memref<8388608xf32, #tpu.memory_space<hbm>> -> memref<8192xf32, #tpu.memory_space<hbm>>
    tpu.wait_dma2 semaphore(%arg21 : memref<!tpu.dma_semaphore, #tpu.memory_space<semaphore_mem>>) src(%dma_wait3A_31 : memref<8192xf32, #tpu.memory_space<hbm>>) dst(%arg19 : memref<8192xf32, #tpu.memory_space<vmem>>)
    %eq3A_32 = arith.constant 0 : i32
    %eq3A_33 = arith.cmpi eq, %arg0, %eq3A_32 : i32
    %jit3A = arith.constant -7.812500e-03 : f32
    %jit3A_34 = arith.constant -1.562500e-02 : f32
    %select_n3A = arith.select %eq3A_33, %jit3A, %jit3A_34 : f32
    %eq3A_35 = arith.constant 0 : i32
    %eq3A_36 = arith.cmpi eq, %arg0, %eq3A_35 : i32
    %jit3A_37 = arith.constant 1.52886496E-5 : f32
    %jit3A_38 = arith.constant 1.52737048E-5 : f32
    %select_n3A_39 = arith.select %eq3A_36, %jit3A_37, %jit3A_38 : f32
    %eq3A_40 = arith.constant 0 : i32
    %eq3A_41 = arith.cmpi eq, %arg0, %eq3A_40 : i32
    %jit3A_42 = arith.constant 8 : i32
    %jit3A_43 = arith.constant 4 : i32
    %select_n3A_44 = arith.select %eq3A_41, %jit3A_42, %jit3A_43 : i32
    %broadcast_in_dim3A = arith.constant 0.000000e+00 : f32
    %broadcast_in_dim3A_45 = vector.broadcast %broadcast_in_dim3A : f32 to vector<16xf32>
    %scan3A_46 = arith.constant 0 : i32
    %scan3A_47 = arith.constant 64 : i32
    %scan3A_48 = arith.addi %scan3A_46, %scan3A_47 : i32
    %scan3A_49 = arith.constant 1 : i32
    %scan3A_50 = scf.for %scan3A_81 = %scan3A_46 to %scan3A_48 step %scan3A_49 iter_args(%scan3A_82 = %broadcast_in_dim3A_45) -> (vector<16xf32>)  : i32 {
      %mul3A_83 = arith.constant 8 : i32
      %mul3A_84 = arith.muli %scan3A_81, %mul3A_83 : i32
      %add3A_85 = arith.constant 0 : i32
      %add3A_86 = arith.addi %mul3A_84, %add3A_85 : i32
      %mul3A_87 = arith.constant 16 : i32
      %mul3A_88 = arith.muli %add3A_86, %mul3A_87 : i32
      %get3A_89 = arith.index_cast %mul3A_88 : i32 to index
      %get3A_90 = tpu.vector_load %arg18[%get3A_89] {strides = array<i32>} : memref<8192xf32, #tpu.memory_space<vmem>>, vector<16xf32>,
      %get3A_91 = arith.index_cast %mul3A_88 : i32 to index
      %get3A_92 = tpu.vector_load %arg19[%get3A_91] {strides = array<i32>} : memref<8192xf32, #tpu.memory_space<vmem>>, vector<16xf32>,
      %sub3A_93 = arith.subf %get3A_90, %get3A_92 : vector<16xf32>
      %mul3A_94 = arith.mulf %sub3A_93, %sub3A_93 : vector<16xf32>
      %add3A_95 = arith.addf %scan3A_82, %mul3A_94 : vector<16xf32>
      %mul3A_96 = arith.constant 8 : i32
      %mul3A_97 = arith.muli %scan3A_81, %mul3A_96 : i32
      %add3A_98 = arith.constant 1 : i32
      %add3A_99 = arith.addi %mul3A_97, %add3A_98 : i32
      %mul3A_100 = arith.constant 16 : i32
      %mul3A_101 = arith.muli %add3A_99, %mul3A_100 : i32
      %get3A_102 = arith.index_cast %mul3A_101 : i32 to index
      %get3A_103 = tpu.vector_load %arg18[%get3A_102] {strides = array<i32>} : memref<8192xf32, #tpu.memory_space<vmem>>, vector<16xf32>,
      %get3A_104 = arith.index_cast %mul3A_101 : i32 to index
      %get3A_105 = tpu.vector_load %arg19[%get3A_104] {strides = array<i32>} : memref<8192xf32, #tpu.memory_space<vmem>>, vector<16xf32>,
      %sub3A_106 = arith.subf %get3A_103, %get3A_105 : vector<16xf32>
      %mul3A_107 = arith.mulf %sub3A_106, %sub3A_106 : vector<16xf32>
      %add3A_108 = arith.addf %add3A_95, %mul3A_107 : vector<16xf32>
      %mul3A_109 = arith.constant 8 : i32
      %mul3A_110 = arith.muli %scan3A_81, %mul3A_109 : i32
      %add3A_111 = arith.constant 2 : i32
      %add3A_112 = arith.addi %mul3A_110, %add3A_111 : i32
      %mul3A_113 = arith.constant 16 : i32
      %mul3A_114 = arith.muli %add3A_112, %mul3A_113 : i32
      %get3A_115 = arith.index_cast %mul3A_114 : i32 to index
      %get3A_116 = tpu.vector_load %arg18[%get3A_115] {strides = array<i32>} : memref<8192xf32, #tpu.memory_space<vmem>>, vector<16xf32>,
      %get3A_117 = arith.index_cast %mul3A_114 : i32 to index
      %get3A_118 = tpu.vector_load %arg19[%get3A_117] {strides = array<i32>} : memref<8192xf32, #tpu.memory_space<vmem>>, vector<16xf32>,
      %sub3A_119 = arith.subf %get3A_116, %get3A_118 : vector<16xf32>
      %mul3A_120 = arith.mulf %sub3A_119, %sub3A_119 : vector<16xf32>
      %add3A_121 = arith.addf %add3A_108, %mul3A_120 : vector<16xf32>
      %mul3A_122 = arith.constant 8 : i32
      %mul3A_123 = arith.muli %scan3A_81, %mul3A_122 : i32
      %add3A_124 = arith.constant 3 : i32
      %add3A_125 = arith.addi %mul3A_123, %add3A_124 : i32
      %mul3A_126 = arith.constant 16 : i32
      %mul3A_127 = arith.muli %add3A_125, %mul3A_126 : i32
      %get3A_128 = arith.index_cast %mul3A_127 : i32 to index
      %get3A_129 = tpu.vector_load %arg18[%get3A_128] {strides = array<i32>} : memref<8192xf32, #tpu.memory_space<vmem>>, vector<16xf32>,
      %get3A_130 = arith.index_cast %mul3A_127 : i32 to index
      %get3A_131 = tpu.vector_load %arg19[%get3A_130] {strides = array<i32>} : memref<8192xf32, #tpu.memory_space<vmem>>, vector<16xf32>,
      %sub3A_132 = arith.subf %get3A_129, %get3A_131 : vector<16xf32>
      %mul3A_133 = arith.mulf %sub3A_132, %sub3A_132 : vector<16xf32>
      %add3A_134 = arith.addf %add3A_121, %mul3A_133 : vector<16xf32>
      %mul3A_135 = arith.constant 8 : i32
      %mul3A_136 = arith.muli %scan3A_81, %mul3A_135 : i32
      %add3A_137 = arith.constant 4 : i32
      %add3A_138 = arith.addi %mul3A_136, %add3A_137 : i32
      %mul3A_139 = arith.constant 16 : i32
      %mul3A_140 = arith.muli %add3A_138, %mul3A_139 : i32
      %get3A_141 = arith.index_cast %mul3A_140 : i32 to index
      %get3A_142 = tpu.vector_load %arg18[%get3A_141] {strides = array<i32>} : memref<8192xf32, #tpu.memory_space<vmem>>, vector<16xf32>,
      %get3A_143 = arith.index_cast %mul3A_140 : i32 to index
      %get3A_144 = tpu.vector_load %arg19[%get3A_143] {strides = array<i32>} : memref<8192xf32, #tpu.memory_space<vmem>>, vector<16xf32>,
      %sub3A_145 = arith.subf %get3A_142, %get3A_144 : vector<16xf32>
      %mul3A_146 = arith.mulf %sub3A_145, %sub3A_145 : vector<16xf32>
      %add3A_147 = arith.addf %add3A_134, %mul3A_146 : vector<16xf32>
      %mul3A_148 = arith.constant 8 : i32
      %mul3A_149 = arith.muli %scan3A_81, %mul3A_148 : i32
      %add3A_150 = arith.constant 5 : i32
      %add3A_151 = arith.addi %mul3A_149, %add3A_150 : i32
      %mul3A_152 = arith.constant 16 : i32
      %mul3A_153 = arith.muli %add3A_151, %mul3A_152 : i32
      %get3A_154 = arith.index_cast %mul3A_153 : i32 to index
      %get3A_155 = tpu.vector_load %arg18[%get3A_154] {strides = array<i32>} : memref<8192xf32, #tpu.memory_space<vmem>>, vector<16xf32>,
      %get3A_156 = arith.index_cast %mul3A_153 : i32 to index
      %get3A_157 = tpu.vector_load %arg19[%get3A_156] {strides = array<i32>} : memref<8192xf32, #tpu.memory_space<vmem>>, vector<16xf32>,
      %sub3A_158 = arith.subf %get3A_155, %get3A_157 : vector<16xf32>
      %mul3A_159 = arith.mulf %sub3A_158, %sub3A_158 : vector<16xf32>
      %add3A_160 = arith.addf %add3A_147, %mul3A_159 : vector<16xf32>
      %mul3A_161 = arith.constant 8 : i32
      %mul3A_162 = arith.muli %scan3A_81, %mul3A_161 : i32
      %add3A_163 = arith.constant 6 : i32
      %add3A_164 = arith.addi %mul3A_162, %add3A_163 : i32
      %mul3A_165 = arith.constant 16 : i32
      %mul3A_166 = arith.muli %add3A_164, %mul3A_165 : i32
      %get3A_167 = arith.index_cast %mul3A_166 : i32 to index
      %get3A_168 = tpu.vector_load %arg18[%get3A_167] {strides = array<i32>} : memref<8192xf32, #tpu.memory_space<vmem>>, vector<16xf32>,
      %get3A_169 = arith.index_cast %mul3A_166 : i32 to index
      %get3A_170 = tpu.vector_load %arg19[%get3A_169] {strides = array<i32>} : memref<8192xf32, #tpu.memory_space<vmem>>, vector<16xf32>,
      %sub3A_171 = arith.subf %get3A_168, %get3A_170 : vector<16xf32>
      %mul3A_172 = arith.mulf %sub3A_171, %sub3A_171 : vector<16xf32>
      %add3A_173 = arith.addf %add3A_160, %mul3A_172 : vector<16xf32>
      %mul3A_174 = arith.constant 8 : i32
      %mul3A_175 = arith.muli %scan3A_81, %mul3A_174 : i32
      %add3A_176 = arith.constant 7 : i32
      %add3A_177 = arith.addi %mul3A_175, %add3A_176 : i32
      %mul3A_178 = arith.constant 16 : i32
      %mul3A_179 = arith.muli %add3A_177, %mul3A_178 : i32
      %get3A_180 = arith.index_cast %mul3A_179 : i32 to index
      %get3A_181 = tpu.vector_load %arg18[%get3A_180] {strides = array<i32>} : memref<8192xf32, #tpu.memory_space<vmem>>, vector<16xf32>,
      %get3A_182 = arith.index_cast %mul3A_179 : i32 to index
      %get3A_183 = tpu.vector_load %arg19[%get3A_182] {strides = array<i32>} : memref<8192xf32, #tpu.memory_space<vmem>>, vector<16xf32>,
      %sub3A_184 = arith.subf %get3A_181, %get3A_183 : vector<16xf32>
      %mul3A_185 = arith.mulf %sub3A_184, %sub3A_184 : vector<16xf32>
      %add3A_186 = arith.addf %add3A_173, %mul3A_185 : vector<16xf32>
      scf.yield %add3A_186 : vector<16xf32>
    }
    %scan3A_51 = arith.constant 64 : i32
    %mul3A_52 = vector.broadcast %select_n3A_39 : f32 to vector<16xf32>
    %mul3A_53 = arith.mulf %scan3A_50, %mul3A_52 : vector<16xf32>
    %sub3A = arith.subf %select_n3A, %select_n3A_39 : f32
    %get3A = arith.constant 0 : index
    %get3A_54 = tpu.vector_load %arg18[%get3A] {strides = array<i32>} : memref<8192xf32, #tpu.memory_space<vmem>>, vector<16xf32>,
    %get3A_55 = arith.constant 0 : index
    %get3A_56 = tpu.vector_load %arg19[%get3A_55] {strides = array<i32>} : memref<8192xf32, #tpu.memory_space<vmem>>, vector<16xf32>,
    %sub3A_57 = arith.subf %get3A_54, %get3A_56 : vector<16xf32>
    %lt3A = vector.broadcast %select_n3A_44 : i32 to vector<16xi32>
    %lt3A_58 = arith.cmpi slt, %iota3A, %lt3A : vector<16xi32>
    %mul3A_59 = vector.broadcast %sub3A : f32 to vector<16xf32>
    %mul3A_60 = arith.mulf %mul3A_59, %sub3A_57 : vector<16xf32>
    %mul3A_61 = arith.mulf %mul3A_60, %sub3A_57 : vector<16xf32>
    %jit3A_62 = arith.constant 0.000000e+00 : f32
    %broadcast_in_dim3A_63 = vector.broadcast %jit3A_62 : f32 to vector<16xf32>
    %select_n3A_64 = arith.select %lt3A_58, %mul3A_61, %broadcast_in_dim3A_63 : vector<16xi1>, vector<16xf32>
    %add3A_65 = arith.addf %mul3A_53, %select_n3A_64 : vector<16xf32>
    %get3A_66 = arith.constant 4096 : index
    %get3A_67 = tpu.vector_load %arg18[%get3A_66] {strides = array<i32>} : memref<8192xf32, #tpu.memory_space<vmem>>, vector<16xf32>,
    %get3A_68 = arith.constant 4096 : index
    %get3A_69 = tpu.vector_load %arg19[%get3A_68] {strides = array<i32>} : memref<8192xf32, #tpu.memory_space<vmem>>, vector<16xf32>,
    %sub3A_70 = arith.subf %get3A_67, %get3A_69 : vector<16xf32>
    %lt3A_71 = vector.broadcast %select_n3A_44 : i32 to vector<16xi32>
    %lt3A_72 = arith.cmpi slt, %iota3A, %lt3A_71 : vector<16xi32>
    %mul3A_73 = vector.broadcast %sub3A : f32 to vector<16xf32>
    %mul3A_74 = arith.mulf %mul3A_73, %sub3A_70 : vector<16xf32>
    %mul3A_75 = arith.mulf %mul3A_74, %sub3A_70 : vector<16xf32>
    %jit3A_76 = arith.constant 0.000000e+00 : f32
    %broadcast_in_dim3A_77 = vector.broadcast %jit3A_76 : f32 to vector<16xf32>
    %select_n3A_78 = arith.select %lt3A_72, %mul3A_75, %broadcast_in_dim3A_77 : vector<16xi1>, vector<16xf32>
    %add3A_79 = arith.addf %add3A_65, %select_n3A_78 : vector<16xf32>
    %swap3A = arith.constant 0 : index
    %swap3A_80 = tpu.vector_load %arg20[%swap3A] {strides = array<i32>} : memref<16xf32, #tpu.memory_space<vmem>>, vector<16xf32>,
    tpu.vector_store %arg20[%swap3A], %add3A_79 {strides = array<i32>} : memref<16xf32, #tpu.memory_space<vmem>>, vector<16xf32>,
    "tpu.region"() ({
      %run_scoped3A = tpu.sem_alloc : memref<!tpu.dma_semaphore, #tpu.memory_space<semaphore_mem>>
      %dma_start3A = arith.constant 0 : i32
      %dma_start3A_81 = tpu.memref_slice %arg11[%add3A, %dma_start3A] : memref<32x16xf32, #tpu.memory_space<hbm>> -> memref<1x16xf32, #tpu.memory_space<hbm>>
      %dma_start3A_82 = tpu.memref_squeeze %dma_start3A_81 : memref<1x16xf32, #tpu.memory_space<hbm>> -> memref<16xf32, #tpu.memory_space<hbm>>
      %dma_start3A_83 = arith.constant 0 : i32
      %dma_start3A_84 = tpu.memref_slice %arg11[%add3A, %dma_start3A_83] : memref<32x16xf32, #tpu.memory_space<hbm>> -> memref<1x16xf32, #tpu.memory_space<hbm>>
      %dma_start3A_85 = tpu.memref_squeeze %dma_start3A_84 : memref<1x16xf32, #tpu.memory_space<hbm>> -> memref<16xf32, #tpu.memory_space<hbm>>
      tpu.enqueue_dma source(%arg20 : memref<16xf32, #tpu.memory_space<vmem>>) target(%dma_start3A_85 : memref<16xf32, #tpu.memory_space<hbm>>) target_semaphore(%run_scoped3A : memref<!tpu.dma_semaphore, #tpu.memory_space<semaphore_mem>>)
      %dma_wait3A_86 = arith.constant 0 : i32
      %dma_wait3A_87 = tpu.memref_slice %arg11[%add3A, %dma_wait3A_86] : memref<32x16xf32, #tpu.memory_space<hbm>> -> memref<1x16xf32, #tpu.memory_space<hbm>>
      %dma_wait3A_88 = tpu.memref_squeeze %dma_wait3A_87 : memref<1x16xf32, #tpu.memory_space<hbm>> -> memref<16xf32, #tpu.memory_space<hbm>>
      %dma_wait3A_89 = arith.constant 0 : i32
      %dma_wait3A_90 = tpu.memref_slice %arg11[%add3A, %dma_wait3A_89] : memref<32x16xf32, #tpu.memory_space<hbm>> -> memref<1x16xf32, #tpu.memory_space<hbm>>
      %dma_wait3A_91 = tpu.memref_squeeze %dma_wait3A_90 : memref<1x16xf32, #tpu.memory_space<hbm>> -> memref<16xf32, #tpu.memory_space<hbm>>
      tpu.wait_dma2 semaphore(%run_scoped3A : memref<!tpu.dma_semaphore, #tpu.memory_space<semaphore_mem>>) src(%arg20 : memref<16xf32, #tpu.memory_space<vmem>>) dst(%dma_wait3A_91 : memref<16xf32, #tpu.memory_space<hbm>>)
      tpu.yield
    }) : () -> ()
    return
  }
}

</mosaic_0001>

<sc_bundles>
// kernel: kernel.3.cloned.1.call-start
scs
__scs_entry_jumppad:
0x0: {  	(pc) =	sbr.rel $0x88, $3  }
0x1: {  	(tag) =	ssettag $0x0;
	lr =	simm.s32 $0x1  }
0x2: {  	[smem:$0x3F9E] =	sst lr;
	_ =	strace $0xD0000000  }
0x3: {  	_ = 	snop  }
0x4: {  	_ = 	snop  }
0x5: {  	_ = 	snop  }
0x6: {  	_ = 	snop  }
0x7: {  	_ = 	snop  }
__scs_overlays_trampoline_lowered:
0x8: {  	[smem:$0x3FAD] =	sst s0  }
0x9: {  	[smem:$0x3FAE] =	sst s1  }
0xa: {  	[smem:$0x3FAF] =	sst s2  }
0xb: {  	[smem:$0x3FB0] =	sst s3  }
0xc: {  	[smem:$0x3FB1] =	sst s4  }
0xd: {  	[smem:$0x3FB2] =	sst s5  }
0xe: {  	[smem:$0x3FB3] =	sst s6  }
0xf: {  	[smem:$0x3FB4] =	sst s7  }
0x10: {  	[smem:$0x3FB5] =	sst s8  }
0x11: {  	[smem:$0x3FB6] =	sst s9;
	s0 =	simm.s32 @!p0 $0x0  }
0x12: {  	s1 =	sld [smem:$0x3F9C];
	s0 =	simm.s32 @p0 $0x1  }
0x13: {  	[smem:$0x3FB7] =	sst s0;
	s0 =	simm.s32 @!p1 $0x0  }
0x14: {  	s2 =	sld [smem:$0x3F9B];
	s0 =	simm.s32 @p1 $0x1  }
0x15: {  	[smem:$0x3FB8] =	sst s0;
	s0 =	simm.s32 @!p2 $0x0  }
0x16: {  	s3 =	sld [smem:$0x3FDB];
	s0 =	simm.s32 @p2 $0x1  }
0x17: {  	s4 =	simm.s32 $0x1BF5;
	[smem:$0x3FBA] =	sst s0  }
0x18: {  	s0 =	sld [smem:$0x3F9D];
	_ =	swait.ge [sflag:s4], $0x0  }
0x19: {  	s7 =	sld [smem:$0x3F9E]  }
0x1a: {  	s8 =	sadd.s32 $0xFFFFE003, lr  }
0x1b: {  	s9 =	sadd.s32 $0xFFFFFEF7, lr;
	s5 =	simm.s32 $0xFFFFFFFF;
	p2 =	slt.u32 s8, $0xFFFFF086  }
0x1c: {  	p1 =	slt.u32 s9, $0xF7A;
	s5 =	simm.s32 @!p2 $0x0  }
0x1d: {  	s5 =	simm.s32 @p1 $0x1;
	p0 =	seq.s32 s7, s2  }
0x1e: {  	s7 =	smul.u32 @!p0 $0xF7A, s2;
	p2 =	seq.s32 @!p0 s5, $0x0  }
0x1f: {  	s9 =	smul.u32 $0xF7A, s1;
	s8 =	simm.s32 @!p0 $0x1BF5;
	p2 =	por !p2, p0  }
0x20: {  	[sflag:s8] =	ssyncset.s32 @!p0 $0xFFFFF086;
	s6 =	sadd.s32 @!p0 s3, s7;
	s7 =	simm.s32 @!p0 $0x108  }
0x21: {  	s3 =	sadd.s32 s3, s9;
	s6 =	sadd.s32 @!p0 $0x88, s6;
	s7 =	simm.s32 @p2 $0x1082  }
0x22: {  	[simem:s7], [sflag:s8] =	dma.local @!p0 [hbm:s6], $0xF7A  }
0x23: {  	s9 =	sor.u32 $0xD0000000, s2;
	s6 =	simm.s32 $0x108;
	_ =	swait.ge @!p0 [sflag:s8], $0x0  }
0x24: {  	s3 =	sadd.s32 $0x88, s3;
	s6 =	simm.s32 @!p1 $0x1082;
	[sflag:s4] =	ssyncset.s32 $0xFFFFF086  }
0x25: {  	[simem:s6], [sflag:s4] =	dma.local [hbm:s3], $0xF7A  }
0x26: {  	[smem:$0x3F9E] =	sst s1;
	(tag) =	ssettag s2;
	_ =	strace s9  }
0x27: {  	s1 =	sld [smem:$0x3FAE]  }
0x28: {  	s2 =	sld [smem:$0x3FAF]  }
0x29: {  	s4 =	sld [smem:$0x3FB1]  }
0x2a: {  	p0 =	seq.s32 s5, $0x0;
	s5 =	sld [smem:$0x3FB2]  }
0x2b: {  	s6 =	sld [smem:$0x3FB3]  }
0x2c: {  	s7 =	sld [smem:$0x3FB4]  }
0x2d: {  	s3 =	simm.s32 $0x108;
	s8 =	sld [smem:$0x3FB5]  }
0x2e: {  	s3 =	simm.s32 @!p0 $0x1082;
	s9 =	sld [smem:$0x3FB6]  }
0x2f: {  	lr =	sadd.s32 s0, s3;
	s0 =	sld [smem:$0x3FAD]  }
0x30: {  	s3 =	sld [smem:$0x3FB0]  }
0x31: {  	[smem:$0x3FB9] =	sst s10  }
0x32: {  	s10 =	sld [smem:$0x3FB7];
	_ =	sdelay $0x3  }
0x33: {  	p0 =	seq.s32 s10, $0x1;
	s10 =	sld [smem:$0x3FB9];
	_ =	sdelay $0x3  }
0x34: {  	[smem:$0x3FB9] =	sst s10  }
0x35: {  	s10 =	sld [smem:$0x3FB8];
	_ =	sdelay $0x3  }
0x36: {  	p1 =	seq.s32 s10, $0x1;
	s10 =	sld [smem:$0x3FB9];
	_ =	sdelay $0x3  }
0x37: {  	[smem:$0x3FB9] =	sst s10  }
0x38: {  	s10 =	sld [smem:$0x3FBA]  }
0x39: {  	_ = 	snop;
	(pc) =	sbr.ind lr, $3  }
0x3a: {  	_ = 	snop  }
0x3b: {  	_ = 	snop  }
0x3c: {  	p2 =	seq.s32 s10, $0x1;
	s10 =	sld [smem:$0x3FB9]  }
0x3d: {  	_ =	shalt  }
0x3e: {  	_ =	shalt  }
0x3f: {  	_ =	shalt  }
0x40: {  	_ =	shalt  }
0x41: {  	_ =	shalt  }
0x42: {  	_ =	shalt  }
0x43: {  	_ =	shalt  }
0x44: {  	_ =	shalt  }
0x45: {  	_ =	shalt  }
0x46: {  	_ =	shalt  }
0x47: {  	_ =	shalt  }
0x48: {  	_ =	shalt  }
0x49: {  	_ =	shalt  }
0x4a: {  	_ =	shalt  }
0x4b: {  	_ =	shalt  }
0x4c: {  	_ =	shalt  }
0x4d: {  	_ =	shalt  }
0x4e: {  	_ =	shalt  }
0x4f: {  	_ =	shalt  }
0x50: {  	_ =	shalt  }
0x51: {  	_ =	shalt  }
0x52: {  	_ =	shalt  }
0x53: {  	_ =	shalt  }
0x54: {  	_ =	shalt  }
0x55: {  	_ =	shalt  }
0x56: {  	_ =	shalt  }
0x57: {  	_ =	shalt  }
0x58: {  	_ =	shalt  }
0x59: {  	_ =	shalt  }
0x5a: {  	_ =	shalt  }
0x5b: {  	_ =	shalt  }
0x5c: {  	_ =	shalt  }
0x5d: {  	_ =	shalt  }
0x5e: {  	_ =	shalt  }
0x5f: {  	_ =	shalt  }
0x60: {  	_ =	shalt  }
0x61: {  	_ =	shalt  }
0x62: {  	_ =	shalt  }
0x63: {  	_ =	shalt  }
0x64: {  	_ =	shalt  }
0x65: {  	_ =	shalt  }
0x66: {  	_ =	shalt  }
0x67: {  	_ =	shalt  }
0x68: {  	_ =	shalt  }
0x69: {  	_ =	shalt  }
0x6a: {  	_ =	shalt  }
0x6b: {  	_ =	shalt  }
0x6c: {  	_ =	shalt  }
0x6d: {  	_ =	shalt  }
0x6e: {  	_ =	shalt  }
0x6f: {  	_ =	shalt  }
0x70: {  	_ =	shalt  }
0x71: {  	_ =	shalt  }
0x72: {  	_ =	shalt  }
0x73: {  	_ =	shalt  }
0x74: {  	_ =	shalt  }
0x75: {  	_ =	shalt  }
0x76: {  	_ =	shalt  }
0x77: {  	_ =	shalt  }
0x78: {  	_ =	shalt  }
0x79: {  	_ =	shalt  }
0x7a: {  	_ =	shalt  }
0x7b: {  	_ =	shalt  }
0x7c: {  	_ =	shalt  }
0x7d: {  	_ =	shalt  }
0x7e: {  	_ =	shalt  }
0x7f: {  	_ =	shalt  }
0x80: {  	_ =	shalt  }
0x81: {  	_ =	shalt  }
0x82: {  	_ =	shalt  }
0x83: {  	_ =	shalt  }
0x84: {  	_ =	shalt  }
0x85: {  	_ =	shalt  }
0x86: {  	_ =	shalt  }
0x87: {  	_ =	shalt  }
.Lfunc_end0:
.L_simem_size_0:
called_computation.1_lowered:
.L_overlay_start_0:
0x88: {  	s2 =	sld [smem:$0x3FD9]  }
0x89: {  	s3 =	sld [smem:$0x3FFE];
	_ =	sdelay $0x1  }
0x8a: {  	s1 =	srdreg.scid  }
0x8b: {  	s0 =	sand.u32 $0x1, s1  }
0x8c: {  	s16 =	sshll.u32 s0, $0xA;
	s2 =	sadd.s32 s3, s2  }
0x8d: {  	s2 =	sadd.s32 s2, s16  }
0x8e: {  	[smem:$0x3FC5] =	sst s2  }
0x8f: {  	_ = 	snop  }
0x90: {  	(tm) =	ssettm $0x1  }
0x91: {  	s17 =	sld [smem:$0x3FFB];
	_ =	sdelay $0x3  }
0x92: {  	_ =	strace s17  }
0x93: {  	s2 =	sld [smem:$0x3FFC];
	_ =	sdelay $0x3  }
0x94: {  	_ =	strace s2  }
0x95: {  	s2 =	sld [smem:$0x3FFD];
	_ =	sdelay $0x3  }
0x96: {  	_ =	strace s2  }
0x97: {  	_ =	strace $0x8FFFFFFF  }
0x98: {  	s18 =	sld [smem:$0x3FDB];
	_ =	sdelay $0x1  }
0x99: {  	s19 =	simm.s32 $_scs_section_size  }
0x9a: {  	s4 =	simm.s32 $_size__tile_overlayer_lowered;
	s5 =	simm.s32 $_tile_overlayer_lowered  }
0x9b: {  	s22 =	simm.s32 $0x1BFF;
	s21 =	sshll.u32 s5, $0x1;
	s2 =	sadd.s32 s19, s18  }
0x9c: {  	s6 =	simm.s32 $0x0;
	s20 =	sshll.u32 s4, $0x1;
	s4 =	sadd.s32 s21, s2  }
0x9d: {  	[timem:s6], [sflag:s22] =	dma.local [hbm:s4], s20  }
0x9e: {  	_ =	swait.ge [sflag:s22], s20  }
0x9f: {  	s3 =	ssub.s32 $0x0, s20;
	[sflag:s22] =	ssyncset.done $0x0  }
0xa0: {  	[sflag:s22] =	ssyncadd.s32 s3;
	_ =	sdelay $0x1  }
0xa1: {  	s23 =	simm.s32 $0x1B8B  }
0xa2: {  	_ =	swait.ge [sflag:s23], $0x1  }
0xa3: {  	[sflag:s23] =	ssyncset.done $0x0  }
0xa4: {  	s25 =	simm.s32 $0x1B8E;
	s24 =	sld [smem:$0x3FFE];
	[sflag:s23] =	ssyncadd.s32 $0xFFFFFFFF  }
0xa5: {  	s26 =	simm.s32 $execute0_lowered;
	[smem:$0x3FD2] =	sst s25  }
0xa6: {  	s4 =	sshll.u32 s26, $0x1;
	_ =	strace $0x80000049;
	[dreg:$0x1] =	wrdreg $0xFFFFFFFF  }
0xa7: {  	s28 =	simm.s32 $_size_execute0_lowered;
	s2 =	sadd.s32 s2, s4;
	[dreg:$0x0] =	wrdreg $0x0  }
0xa8: {  	s4 =	sshll.u32 s28, $0x1;
	[dreg:$0x2] =	wrdreg s2  }
0xa9: {  	[dreg:$0x3] =	wrdreg s4  }
0xaa: {  	[dreg:$0x4] =	wrdreg $0xC0  }
0xab: {  	_ =	task [dreg:s6], $0x5FFFF  }
0xac: {  	[dreg:$0x1] =	wrdreg $0xFFFFFFFF  }
0xad: {  	[dreg:$0x0] =	wrdreg $0x60  }
0xae: {  	[dreg:$0x2] =	wrdreg s24  }
0xaf: {  	[dreg:$0x3] =	wrdreg $0x9  }
0xb0: {  	_ =	task.clear_ibuf [dreg:s6], $0x4FFFF;
	_ =	strace $0x90000049  }
0xb1: {  	s29 =	simm.s32 $0x9;
	_ =	strace $0x8000004B  }
0xb2: {  	_ =	swait.ge [sflag:s29], $0x1  }
0xb3: {  	[sflag:s29] =	ssyncadd.s32 $0xFFFFFFFF  }
0xb4: {  	_ =	strace $0x9000004B  }
0xb5: {  	_ =	sfence  }
0xb6: {  	s30 =	sld [smem:$0x0];
	_ =	sdelay $0x2  }
0xb7: {  	s31 =	sshll.u32 s1, $0xD;
	s1 =	sshrl.u32 s1, $0x2  }
0xb8: {  	s3 =	sand.u32 $0x4000, s31;
	s1 =	sadd.s32 s1, s30  }
0xb9: {  	s0 =	sor.u32 s3, s0;
	s1 =	sshll.u32 s1, $0x11  }
0xba: {  	s0 =	sor.u32 s1, s0  }
0xbb: {  	s0 =	sadd.s32 $0x8F2B, s0  }
0xbc: {  	[sflag:s0] =	ssyncadd.remote.s32 $0x1  }
0xbd: {  	_ =	sfence.sel $0xFFFF  }
0xbe: {  	[dreg:$0x0] =	wrdreg $0xFFFFFFFF;
	(pc) =	sbr.abs _section_cstart, $3  }
0xbf: {  	[dreg:$0x1] =	wrdreg $0xFFFFFFFF  }
0xc0: {  	_ =	task.clear_ibuf [dreg:s6], $0x2FFFF;
	_ =	strace $0x9FFFFFFF  }
0xc1: {  	(tm) =	ssettm $0x7FFFFFFF  }
tec
execute0_lowered:
.L_overlay_start_1:
0x0: {  	(tag) =	ssettag $0x1  }
0x1: {  	s4 =	rddreg [dreg:$0x0]  }
0x2: {  	s0 =	rddreg [dreg:$0x1];
	s1 =	simm.s32 $0x0  }
0x3: {  	s5 =	srdreg.scid;
	s16 =	simm.f32 $1.528864960e-05;
	s18 =	simm.f32 $-7.827788590e-03  }
0x4: {  	s3 =	stileid.u32;
	[smem:$0x7FF] =	sst s1;
	s7 =	sadd.s32 $0x10CC00, s4  }
0x5: {  	s17 =	simm.s32 $0x8;
	s8 =	sadd.s32 $0x108C00, s4;
	s9 =	sadd.s32 $0x104C00, s4  }
0x6: {  	s2 =	sadd.s32 $0xC00, s4;
	s10 =	sadd.s32 $0x100C00, s4;
	s11 =	sadd.s32 $0x11CC00, s4  }
0x7: {  	s12 =	sadd.s32 $0x118C00, s4;
	s5 =	sand.u32 $0x1, s5;
	s13 =	sadd.s32 $0x114C00, s4  }
0x8: {  	s6 =	sshll.u32 s3, $0x4;
	s15 =	sadd.s32 $0x110C00, s4;
	s31 =	sshll.u32 s3, $0xA  }
0x9: {  	_ =	strace $0x8000004A;
	s14 =	ssub.s32 $0x2, s5;
	s4 =	sadd.s32 s6, s4  }
0xa: {  	p0 =	seq.s32 s5, $0x0;
	s5 =	sshll.u32 s5, $0x8;
	s30 =	sshrl.u32 s14, $0x1  }
0xb: {  	s16 =	simm.s32 @!p0 $0x37802008;
	s5 =	sadd.s32 s5, s4;
	s4 =	sshll.u32 s3, $0x13  }
0xc: {  	s17 =	simm.s32 @!p0 $0x4;
	s18 =	simm.s32 @!p0 $0xBC802008;
	s11 =	smov.u32 @p0 s7  }
0xd: {  	s12 =	smov.u32 @p0 s8;
	s13 =	smov.u32 @p0 s9;
	s15 =	smov.u32 @p0 s10  }
0xe: {  	s6 =	ssub.s32 s14, s30;
	s5 =	sadd.s32 $0x120C00, s5;
	s7 =	sadd.s32 s11, s31  }
0xf: {  	s8 =	sadd.s32 s12, s31;
	s9 =	sadd.s32 s13, s31;
	s10 =	sadd.s32 s15, s31  }
0x10: {  	s11 =	simm.s32 $0x2000;
	s12 =	simm.s32 $0x4000;
	s13 =	simm.s32 $0x6000  }
0x11: {  	v3 =	vlaneseq.u32;
	v2 =	vmov s17;
	s14 =	simm.s32 $0x1;
	s15 =	simm.s32 $0x80;
	v0 =	vmov s16;
	s16 =	simm.s32 $0x10000  }
0x12: {  	v1 =	vmov s18;
	s17 =	simm.s32 $0x2;
	s18 =	simm.s32 $0x0;
	s6 =	smax.u32 s6, $0x1;
	vm0 =	vgt.u32 v2, v3  }
.LBB2_1:
0x13: {  	[tilespmem:s1], [sflag:$0x1] =	stream.linear.gather [hbm4b:s7+s1], $0x2000, $0x38;
	[tilespmem:$0x10080] =	vst v63  }
0x14: {  	_ = 	snop  }
0x15: {  	[tilespmem:s11], [sflag:$0x1] =	stream.linear.gather [hbm4b:s8+s1], $0x2000, $0x38;
	[tilespmem:$0x10080] =	vst v63  }
0x16: {  	_ = 	snop  }
0x17: {  	[tilespmem:s12], [sflag:$0x1] =	stream.linear.gather [hbm4b:s9+s1], $0x2000, $0x38;
	[tilespmem:$0x10080] =	vst v63  }
0x18: {  	_ = 	snop  }
0x19: {  	[tilespmem:s13], [sflag:$0x1] =	stream.linear.gather [hbm4b:s10+s1], $0x2000, $0x38;
	[tilespmem:$0x10080] =	vst v63  }
0x1a: {  	_ =	swait.ge [sflag:s14], $0x2000  }
0x1b: {  	[sflag:s14] =	ssyncset.done $0x0  }
0x1c: {  	[sflag:s14] =	ssyncadd.s32 $0xFFFFE000  }
0x1d: {  	_ =	swait.ge [sflag:s14], $0x2000  }
0x1e: {  	[sflag:s14] =	ssyncset.done $0x0  }
0x1f: {  	[sflag:s14] =	ssyncadd.s32 $0xFFFFE000  }
0x20: {  	_ =	swait.ge [sflag:s14], $0x2000  }
0x21: {  	[sflag:s14] =	ssyncset.done $0x0  }
0x22: {  	[sflag:s14] =	ssyncadd.s32 $0xFFFFE000  }
0x23: {  	_ =	swait.ge [sflag:s14], $0x2000  }
0x24: {  	[sflag:s14] =	ssyncset.done $0x0  }
0x25: {  	s19 =	simm.s32 $0x0;
	[sflag:s14] =	ssyncadd.s32 $0xFFFFE000  }
0x26: {  	v8 =	vld [tilespmem:s19+$0x2000]  }
0x27: {  	v9 =	vld [tilespmem:s19+$0x6000]  }
0x28: {  	v10 =	vld [tilespmem:s19+$0x2010]  }
0x29: {  	v11 =	vld [tilespmem:s19+$0x6010]  }
0x2a: {  	v12 =	vld [tilespmem:s19+$0x2020]  }
0x2b: {  	v13 =	vld [tilespmem:s19+$0x6020]  }
0x2c: {  	v14 =	vld [tilespmem:s19+$0x2030]  }
0x2d: {  	v15 =	vld [tilespmem:s19+$0x6030]  }
0x2e: {  	v7 =	vld [tilespmem:s19+$0x2040]  }
0x2f: {  	v6 =	vld [tilespmem:s19+$0x6040]  }
0x30: {  	v5 =	vld [tilespmem:s19+$0x2050]  }
0x31: {  	v4 =	vld [tilespmem:s19+$0x6050]  }
0x32: {  	v3 =	vld [tilespmem:s19+$0x2060]  }
0x33: {  	v16 =	vld [tilespmem:s19+$0x0]  }
0x34: {  	v17 =	vld [tilespmem:s19+$0x4000]  }
0x35: {  	v2 =	vld [tilespmem:s19+$0x6060]  }
0x36: {  	v18 =	vld [tilespmem:s19+$0x10]  }
0x37: {  	s20 =	sand.u32 $0x40000, s1;
	v19 =	vld [tilespmem:s19+$0x4010]  }
0x38: {  	s20 =	sor.u32 s4, s20;
	v20 =	vld [tilespmem:s19+$0x20];
	v16 =	vshll.u32 v16, $0x9  }
0x39: {  	v21 =	vld [tilespmem:s19+$0x4020];
	v17 =	vshll.u32 v17, $0x9;
	v16 =	vadd.s32 s20, v16  }
0x3a: {  	v22 =	vld [tilespmem:s19+$0x30];
	v17 =	vadd.s32 s20, v17;
	v8 =	vadd.s32 v8, v16  }
0x3b: {  	v16 =	vld [tilespmem:s19+$0x4030];
	v9 =	vadd.s32 v9, v17;
	[tilespmem:s19+$0x8000] =	vst v8;
	v8 =	vshll.u32 v18, $0x9  }
0x3c: {  	v17 =	vld [tilespmem:s19+$0x40];
	[tilespmem:s19+$0xA000] =	vst v9;
	v9 =	vshll.u32 v19, $0x9;
	v8 =	vadd.s32 s20, v8  }
0x3d: {  	v63 =	vld [tilespmem:s19+$0x4040];
	v9 =	vadd.s32 s20, v9;
	v8 =	vadd.s32 v10, v8;
	v10 =	vshll.u32 v20, $0x9  }
0x3e: {  	v9 =	vadd.s32 v11, v9;
	v11 =	vshll.u32 v21, $0x9;
	[tilespmem:s19+$0x8010] =	vst v8;
	v8 =	vld [tilespmem:s19+$0x50];
	v10 =	vadd.s32 s20, v10  }
0x3f: {  	[tilespmem:s19+$0xA010] =	vst v9;
	v9 =	vld [tilespmem:s19+$0x4050];
	v11 =	vadd.s32 s20, v11;
	v10 =	vadd.s32 v12, v10;
	v12 =	vshll.u32 v22, $0x9  }
0x40: {  	v11 =	vadd.s32 v13, v11;
	v13 =	vshll.u32 v16, $0x9;
	[tilespmem:s19+$0x8020] =	vst v10;
	v10 =	vld [tilespmem:s19+$0x60];
	v12 =	vadd.s32 s20, v12  }
0x41: {  	v16 =	vshll.u32 v17, $0x9;
	[tilespmem:s19+$0xA020] =	vst v11;
	v11 =	vld [tilespmem:s19+$0x4060];
	v13 =	vadd.s32 s20, v13;
	v12 =	vadd.s32 v14, v12  }
0x42: {  	s21 =	simm.s32 $0x200;
	s22 =	simm.s32 $0x0;
	v14 =	vadd.s32 v15, v13;
	v15 =	vadd.s32 s20, v16;
	v13 =	vshll.u32 v63, $0x9;
	[tilespmem:s19+$0x8030] =	vst v12;
	v12 =	vld [tilespmem:s19+$0x70]  }
.LBB2_2:
0x43: {  	p0 =	sne.s32 s21, $0x7E00;
	[tilespmem:s19+$0xA030] =	vst v14;
	v7 =	vadd.s32 v7, v15;
	v13 =	vadd.s32 s20, v13;
	v8 =	vshll.u32 v8, $0x9;
	v14 =	vld [tilespmem:s19+$0x4070]  }
0x44: {  	[tilespmem:s19+$0x8040] =	vst v7;
	v6 =	vadd.s32 v6, v13;
	v7 =	vadd.s32 s20, v8;
	v8 =	vshll.u32 v9, $0x9;
	v9 =	vld [tilespmem:s19+$0x2070]  }
0x45: {  	[tilespmem:s19+$0xA040] =	vst v6;
	v5 =	vadd.s32 v5, v7;
	v6 =	vadd.s32 s20, v8;
	v7 =	vshll.u32 v10, $0x9;
	v8 =	vld [tilespmem:s19+$0x6070]  }
0x46: {  	[tilespmem:s19+$0x8050] =	vst v5;
	v4 =	vadd.s32 v4, v6;
	v5 =	vadd.s32 s20, v7;
	v6 =	vshll.u32 v11, $0x9  }
0x47: {  	[tilespmem:s19+$0xA050] =	vst v4;
	v3 =	vadd.s32 v3, v5;
	v4 =	vadd.s32 s20, v6;
	v5 =	vshll.u32 v12, $0x9  }
0x48: {  	[tilespmem:s19+$0x8060] =	vst v3;
	v2 =	vadd.s32 v2, v4;
	v3 =	vadd.s32 s20, v5;
	v4 =	vshll.u32 v14, $0x9  }
0x49: {  	[tilespmem:s19+$0xA060] =	vst v2;
	v2 =	vadd.s32 v9, v3;
	v3 =	vadd.s32 s20, v4  }
0x4a: {  	s23 =	sadd.s32 $0xC000, s19;
	s20 =	sadd.s32 $0x8000, s19;
	[tilespmem:s19+$0x8070] =	vst v2;
	v2 =	vadd.s32 v8, v3  }
0x4b: {  	[tilespmem:s19+$0xA070] =	vst v2;
	[tilespmem:s23], [sflag:$0x1] =	stream.indirect.gather [hbm4b:s2+s15], $0x1, s20, s15, $0xb8  }
0x4c: {  	s20 =	sadd.s32 $0xA000, s19;
	s23 =	sadd.s32 $0xE000, s19;
	s19 =	sshra.s32 s21, $0x2  }
0x4d: {  	[tilespmem:s23], [sflag:$0x1] =	stream.indirect.gather [hbm4b:s2+s15], $0x1, s20, s15, $0xb8;
	[tilespmem:$0x10080] =	vst v63  }
0x4e: {  	v8 =	vld [tilespmem:s19+$0x2000]  }
0x4f: {  	v9 =	vld [tilespmem:s19+$0x6000]  }
0x50: {  	v10 =	vld [tilespmem:s19+$0x2010]  }
0x51: {  	v11 =	vld [tilespmem:s19+$0x6010]  }
0x52: {  	v12 =	vld [tilespmem:s19+$0x2020]  }
0x53: {  	v13 =	vld [tilespmem:s19+$0x6020]  }
0x54: {  	v14 =	vld [tilespmem:s19+$0x2030]  }
0x55: {  	v15 =	vld [tilespmem:s19+$0x6030]  }
0x56: {  	v7 =	vld [tilespmem:s19+$0x2040]  }
0x57: {  	v6 =	vld [tilespmem:s19+$0x6040]  }
0x58: {  	v5 =	vld [tilespmem:s19+$0x2050]  }
0x59: {  	v4 =	vld [tilespmem:s19+$0x6050]  }
0x5a: {  	v3 =	vld [tilespmem:s19+$0x2060]  }
0x5b: {  	v2 =	vld [tilespmem:s19+$0x6060]  }
0x5c: {  	v16 =	vld [tilespmem:s19+$0x0]  }
0x5d: {  	v17 =	vld [tilespmem:s19+$0x4000]  }
0x5e: {  	v18 =	vld [tilespmem:s19+$0x10]  }
0x5f: {  	s22 =	sadd.s32 $0x2000, s22;
	v19 =	vld [tilespmem:s19+$0x4010]  }
0x60: {  	s20 =	sand.u32 $0x40000, s22;
	v20 =	vld [tilespmem:s19+$0x20]  }
0x61: {  	s20 =	sor.u32 s4, s20;
	v16 =	vshll.u32 v16, $0x9;
	v21 =	vld [tilespmem:s19+$0x4020]  }
0x62: {  	v16 =	vadd.s32 s20, v16;
	v17 =	vshll.u32 v17, $0x9;
	v22 =	vld [tilespmem:s19+$0x30]  }
0x63: {  	v8 =	vadd.s32 v8, v16;
	v16 =	vadd.s32 s20, v17;
	v17 =	vshll.u32 v18, $0x9;
	v18 =	vld [tilespmem:s19+$0x4030]  }
0x64: {  	[tilespmem:s19+$0x8000] =	vst v8;
	v8 =	vadd.s32 v9, v16;
	v9 =	vadd.s32 s20, v17;
	v16 =	vshll.u32 v19, $0x9;
	v17 =	vld [tilespmem:s19+$0x40]  }
0x65: {  	[tilespmem:s19+$0xA000] =	vst v8;
	v8 =	vadd.s32 v10, v9;
	v9 =	vadd.s32 s20, v16;
	v10 =	vshll.u32 v20, $0x9;
	v16 =	vld [tilespmem:s19+$0x4040]  }
.Ltmp0:
0x66: {  	[tilespmem:s19+$0x8010] =	vst v8;
	v9 =	vadd.s32 v11, v9;
	v10 =	vadd.s32 s20, v10;
	v11 =	vshll.u32 v21, $0x9;
	v8 =	vld [tilespmem:s19+$0x50];
	(pc) =	sbr.rel @p0 .LBB2_2-.Ltmp0, $4  }
0x67: {  	[tilespmem:s19+$0xA010] =	vst v9;
	v10 =	vadd.s32 v12, v10;
	v11 =	vadd.s32 s20, v11;
	v12 =	vshll.u32 v22, $0x9;
	v9 =	vld [tilespmem:s19+$0x4050]  }
0x68: {  	[tilespmem:s19+$0x8020] =	vst v10;
	v11 =	vadd.s32 v13, v11;
	v12 =	vadd.s32 s20, v12;
	v13 =	vshll.u32 v18, $0x9;
	v10 =	vld [tilespmem:s19+$0x60]  }
0x69: {  	[tilespmem:s19+$0xA020] =	vst v11;
	v12 =	vadd.s32 v14, v12;
	v13 =	vadd.s32 s20, v13;
	v17 =	vshll.u32 v17, $0x9;
	v11 =	vld [tilespmem:s19+$0x4060]  }
0x6a: {  	s21 =	sadd.s32 $0x200, s21;
	[tilespmem:s19+$0x8030] =	vst v12;
	v14 =	vadd.s32 v15, v13;
	v15 =	vadd.s32 s20, v17;
	v13 =	vshll.u32 v16, $0x9;
	v12 =	vld [tilespmem:s19+$0x70]  }
0x6b: {  	v7 =	vadd.s32 v7, v15  }
0x6c: {  	v62 =	vld [tilespmem:s19+$0x4070];
	v13 =	vadd.s32 s20, v13;
	[tilespmem:s19+$0x8040] =	vst v7;
	v7 =	vshll.u32 v8, $0x9  }
0x6d: {  	[tilespmem:s19+$0xA030] =	vst v14;
	v6 =	vadd.s32 v6, v13;
	v8 =	vld [tilespmem:s19+$0x2070];
	v9 =	vshll.u32 v9, $0x9;
	v7 =	vadd.s32 s20, v7  }
0x6e: {  	[tilespmem:s19+$0xA040] =	vst v6;
	v6 =	vadd.s32 s20, v9;
	v9 =	vld [tilespmem:s19+$0x6070];
	v5 =	vadd.s32 v5, v7;
	v7 =	vshll.u32 v10, $0x9  }
0x6f: {  	v4 =	vadd.s32 v4, v6;
	v6 =	vshll.u32 v11, $0x9;
	[tilespmem:s19+$0x8050] =	vst v5;
	v5 =	vadd.s32 s20, v7  }
0x70: {  	[tilespmem:s19+$0xA050] =	vst v4;
	v4 =	vadd.s32 s20, v6;
	v3 =	vadd.s32 v3, v5;
	v5 =	vshll.u32 v12, $0x9  }
0x71: {  	v2 =	vadd.s32 v2, v4;
	v4 =	vshll.u32 v62, $0x9;
	[tilespmem:s19+$0x8060] =	vst v3;
	v3 =	vadd.s32 s20, v5  }
0x72: {  	[tilespmem:s19+$0xA060] =	vst v2;
	v2 =	vadd.s32 v8, v3;
	v3 =	vadd.s32 s20, v4  }
0x73: {  	[tilespmem:s19+$0x8070] =	vst v2;
	v2 =	vadd.s32 v9, v3  }
0x74: {  	s28 =	sadd.s32 $0x8000, s19;
	s21 =	sadd.s32 $0xC000, s19;
	[tilespmem:s19+$0xA070] =	vst v2  }
0x75: {  	[tilespmem:s21], [sflag:$0x1] =	stream.indirect.gather [hbm4b:s2+s15], $0x1, s28, s15, $0xb8;
	[tilespmem:$0x10080] =	vst v63  }
0x76: {  	s29 =	sadd.s32 $0xA000, s19;
	s30 =	sadd.s32 $0xE000, s19  }
0x77: {  	[tilespmem:s30], [sflag:$0x1] =	stream.indirect.gather [hbm4b:s2+s15], $0x1, s29, s15, $0xb8;
	[tilespmem:$0x10080] =	vst v63  }
0x78: {  	_ =	swait.ge [sflag:s14], $0x2000  }
0x79: {  	[sflag:s14] =	ssyncset.done $0x0  }
0x7a: {  	[sflag:s14] =	ssyncadd.s32 $0xFFFFE000  }
0x7b: {  	_ =	swait.ge [sflag:s14], $0x2000  }
0x7c: {  	[sflag:s14] =	ssyncset.done $0x0  }
0x7d: {  	s31 =	simm.s32 $0x0;
	[sflag:s14] =	ssyncadd.s32 $0xFFFFE000  }
0x7e: {  	v2 =	vld [tilespmem:s31+$0xC000]  }
0x7f: {  	v3 =	vld [tilespmem:s31+$0xE000]  }
0x80: {  	v4 =	vld [tilespmem:s31+$0xC010]  }
0x81: {  	v5 =	vld [tilespmem:s31+$0xE010]  }
0x82: {  	v6 =	vld [tilespmem:s31+$0xC020]  }
0x83: {  	v7 =	vld [tilespmem:s31+$0xE020]  }
0x84: {  	v8 =	vld [tilespmem:s31+$0xE030];
	v2 =	vsub.f32 v2, v3  }
0x85: {  	v3 =	vld [tilespmem:s31+$0xC030]  }
0x86: {  	v9 =	vld [tilespmem:s31+$0xC040];
	v4 =	vsub.f32 v4, v5;
	v2 =	vmul.f32 v2, v2  }
0x87: {  	v10 =	vld [tilespmem:s31+$0xE040];
	v5 =	vimm.f32 $0.0e+00  }
0x88: {  	v11 =	vld [tilespmem:s31+$0xC050];
	v4 =	vmul.f32 v4, v4;
	v2 =	vadd.f32 v2, v5;
	v5 =	vsub.f32 v6, v7  }
0x89: {  	v63 =	vld [tilespmem:s31+$0xE050]  }
0x8a: {  	v3 =	vsub.f32 v3, v8;
	v4 =	vadd.f32 v4, v2;
	v6 =	vmul.f32 v5, v5;
	v2 =	vld [tilespmem:s31+$0xC060]  }
0x8b: {  	v5 =	vld [tilespmem:s31+$0xE060]  }
0x8c: {  	v9 =	vsub.f32 v9, v10;
	v8 =	vmul.f32 v3, v3;
	v3 =	vld [tilespmem:s31+$0xC070];
	v7 =	vadd.f32 v6, v4  }
0x8d: {  	s19 =	simm.s32 $0x80;
	v6 =	vld [tilespmem:s31+$0xE070]  }
0x8e: {  	s20 =	simm.s32 $0x400;
	v4 =	vld [tilespmem:s19+$0xC000];
	v7 =	vadd.f32 v8, v7;
	v8 =	vmul.f32 v9, v9;
	v9 =	vsub.f32 v11, v63  }
.LBB2_4:
0x8f: {  	p0 =	sne.s32 s20, $0x7E00;
	v10 =	vld [tilespmem:s19+$0xE000]  }
0x90: {  	v11 =	vld [tilespmem:s19+$0xC010];
	v7 =	vadd.f32 v8, v7;
	v8 =	vmul.f32 v9, v9;
	v2 =	vsub.f32 v2, v5  }
0x91: {  	v5 =	vld [tilespmem:s19+$0xE010]  }
0x92: {  	v9 =	vld [tilespmem:s19+$0xC020];
	v7 =	vadd.f32 v8, v7;
	v2 =	vmul.f32 v2, v2;
	v3 =	vsub.f32 v3, v6  }
0x93: {  	v6 =	vld [tilespmem:s19+$0xE020]  }
0x94: {  	v4 =	vsub.f32 v4, v10;
	v8 =	vld [tilespmem:s19+$0xC030];
	v2 =	vadd.f32 v2, v7;
	v3 =	vmul.f32 v3, v3  }
0x95: {  	v7 =	vld [tilespmem:s19+$0xE030]  }
0x96: {  	v4 =	vmul.f32 v4, v4;
	v5 =	vsub.f32 v11, v5;
	v10 =	vld [tilespmem:s19+$0xC040];
	v2 =	vadd.f32 v3, v2  }
0x97: {  	v3 =	vld [tilespmem:s19+$0xE040]  }
0x98: {  	v2 =	vadd.f32 v4, v2;
	v4 =	vmul.f32 v5, v5;
	v5 =	vsub.f32 v9, v6;
	v9 =	vld [tilespmem:s19+$0xC050]  }
0x99: {  	v11 =	vld [tilespmem:s19+$0xE050]  }
.Ltmp1:
0x9a: {  	v4 =	vadd.f32 v4, v2;
	v6 =	vmul.f32 v5, v5;
	v7 =	vsub.f32 v8, v7;
	v2 =	vld [tilespmem:s19+$0xC060];
	(pc) =	sbr.rel @p0 .LBB2_4-.Ltmp1, $4  }
0x9b: {  	v5 =	vld [tilespmem:s19+$0xE060]  }
0x9c: {  	v8 =	vadd.f32 v6, v4;
	v7 =	vmul.f32 v7, v7;
	v10 =	vsub.f32 v10, v3;
	v3 =	vld [tilespmem:s19+$0xC070]  }
0x9d: {  	v6 =	vld [tilespmem:s19+$0xE070];
	s19 =	sshra.s32 s20, $0x2  }
0x9e: {  	s20 =	sadd.s32 $0x200, s20;
	v4 =	vld [tilespmem:s19+$0xC000];
	v7 =	vadd.f32 v7, v8;
	v8 =	vmul.f32 v10, v10;
	v9 =	vsub.f32 v9, v11  }
0x9f: {  	v10 =	vld [tilespmem:s19+$0xE000]  }
0xa0: {  	v11 =	vld [tilespmem:s19+$0xC010]  }
0xa1: {  	v36 =	vld [tilespmem:s19+$0xE010];
	v7 =	vadd.f32 v8, v7;
	v35 =	vmul.f32 v9, v9;
	v2 =	vsub.f32 v2, v5  }
0xa2: {  	v37 =	vld [tilespmem:s19+$0xC020]  }
0xa3: {  	v38 =	vld [tilespmem:s19+$0xE020];
	v7 =	vadd.f32 v35, v7;
	v2 =	vmul.f32 v2, v2;
	v3 =	vsub.f32 v3, v6  }
0xa4: {  	v39 =	vld [tilespmem:s19+$0xC030]  }
0xa5: {  	v40 =	vld [tilespmem:s19+$0xE030];
	v4 =	vsub.f32 v4, v10;
	v2 =	vadd.f32 v2, v7;
	v3 =	vmul.f32 v3, v3  }
0xa6: {  	v41 =	vld [tilespmem:s19+$0xC040]  }
0xa7: {  	v42 =	vld [tilespmem:s19+$0xC050];
	v5 =	vsub.f32 v11, v36;
	v4 =	vmul.f32 v4, v4;
	v2 =	vadd.f32 v3, v2  }
0xa8: {  	v3 =	vld [tilespmem:s19+$0xE040]  }
0xa9: {  	v45 =	vld [tilespmem:s19+$0xE050];
	v44 =	vsub.f32 v37, v38;
	v43 =	vmul.f32 v5, v5;
	v2 =	vadd.f32 v4, v2  }
0xaa: {  	v46 =	vld [tilespmem:s19+$0xC060]  }
0xab: {  	v49 =	vld [tilespmem:s19+$0xE060];
	v48 =	vsub.f32 v39, v40;
	v47 =	vmul.f32 v44, v44;
	v2 =	vadd.f32 v43, v2  }
0xac: {  	v50 =	vld [tilespmem:s19+$0xC070]  }
0xad: {  	v52 =	vld [tilespmem:s19+$0xE070];
	v51 =	vmul.f32 v48, v48;
	v3 =	vsub.f32 v41, v3;
	v2 =	vadd.f32 v47, v2  }
0xae: {  	v53 =	vld [tilespmem:$0xC000]  }
0xaf: {  	v55 =	vld [tilespmem:$0xE000];
	v54 =	vsub.f32 v42, v45;
	v3 =	vmul.f32 v3, v3;
	v2 =	vadd.f32 v51, v2  }
0xb0: {  	v56 =	vld [tilespmem:$0xD000]  }
0xb1: {  	v58 =	vld [tilespmem:$0xF000];
	v57 =	vsub.f32 v46, v49;
	v2 =	vadd.f32 v3, v2;
	v3 =	vmul.f32 v54, v54;
	_ =	sdelay $0x1  }
0xb2: {  	v59 =	vsub.f32 v50, v52;
	v2 =	vadd.f32 v3, v2;
	v3 =	vmul.f32 v57, v57  }
0xb3: {  	v60 =	vsub.f32 v53, v55  }
0xb4: {  	v2 =	vadd.f32 v3, v2;
	v3 =	vmul.f32 v59, v59  }
0xb5: {  	v62 =	vsub.f32 v56, v58;
	v61 =	vmul.f32 v60, v1  }
0xb6: {  	v2 =	vadd.f32 v3, v2  }
0xb7: {  	v63 =	vmul.f32 v62, v1;
	v3 =	vmul.f32 v61, v60  }
0xb8: {  	v2 =	vmul.f32 v2, v0  }
0xb9: {  	v4 =	vmul.f32 v63, v62;
	v3 =	vnsel vm0, $0x0, v3  }
0xba: {  	v2 =	vadd.f32 v3, v2  }
0xbb: {  	v3 =	vnsel vm0, $0x0, v4  }
0xbc: {  	s18 =	sadd.s32 $0x1, s18;
	v2 =	vadd.f32 v3, v2  }
0xbd: {  	p0 =	sne.s32 s18, s6  }
.Ltmp2:
0xbe: {  	[tilespmem:$0x10000] =	vst v2;
	(pc) =	sbr.rel @p0 .LBB2_1-.Ltmp2, $4  }
0xbf: {  	[hbm4b:s5+s1] =	stream.linear.scatter [tilespmem:s16], [sflag:$0x2], $0x80, $0x38;
	[tilespmem:$0x10080] =	vst v63  }
0xc0: {  	_ =	swait.ge [sflag:s17], $0x80  }
0xc1: {  	[sflag:s17] =	ssyncset.done $0x0  }
0xc2: {  	[sflag:s17] =	ssyncadd.s32 $0xFFFFFF80  }
0xc3: {  	_ =	sfence.sel $0x180000  }
0xc4: {  	[bflag:$0x0] =	sbarrier.arrive $0xFFFF  }
0xc5: {  	p0 =	sne.s32 s3, $0x0;
	_ =	strace $0x9000004A  }
0xc6: {  	s0 =	sadd.s32 @!p0 $0x100000, s0;
	[bflag:$0x2] =	sbarrier.arrive $0xFFFF  }
0xc7: {  	[sflag:s0] =	ssyncadd.tile.s32 @!p0 $0x1;
	_ =	shalt  }
.Lfunc_end2:
_tile_overlayer_lowered:
.L_overlay_start_2:
0xc8: {  	(tag) =	ssettag $0x2  }
0xc9: {  	s0 =	rddreg [dreg:$0x0];
	s2 =	stileid.u32  }
0xca: {  	s1 =	rddreg [dreg:$0x1];
	p0 =	sne.s32 s2, $0x0  }
0xcb: {  	s3 =	rddreg [dreg:$0x2];
	[bflag:$0x3] =	sbarrier.arrive $0xFFFF;
	s2 =	simm.s32 @!p0 $0x1C02  }
0xcc: {  	[timem:s3], [sflag:s2] =	dma.local @!p0 [hbm:s0], s1  }
0xcd: {  	s0 =	simm.s32 @!p0 $0x2  }
0xce: {  	_ =	swait.ge @!p0 [sflag:s0], s1  }
0xcf: {  	s1 =	ssub.s32 @!p0 $0x0, s1;
	[sflag:s0] =	ssyncset.done @!p0 $0x0  }
0xd0: {  	[sflag:s0] =	ssyncadd.s32 @!p0 s1  }
0xd1: {  	[bflag:$0x3] =	sbarrier.arrive $0xFFFF  }
0xd2: {  	_ =	shalt  }

// kernel: sparse-core-data-format-call.cloned.1.call-start
scs
called_computation_lowered:
.L_overlay_start_0:
0x0: {  	s2 =	sld [smem:$0x3FD9]  }
0x1: {  	s3 =	sld [smem:$0x3FFE];
	_ =	sdelay $0x1  }
0x2: {  	s1 =	srdreg.scid  }
0x3: {  	s0 =	sand.u32 $0x1, s1  }
0x4: {  	s18 =	sshll.u32 s0, $0xA;
	s2 =	sadd.s32 s3, s2  }
0x5: {  	s2 =	sadd.s32 s2, s18  }
0x6: {  	[smem:$0x3FC5] =	sst s2  }
0x7: {  	_ = 	snop  }
0x8: {  	s2 =	sld [smem:$0x3FC9];
	(tm) =	ssettm $0x1  }
0x9: {  	s19 =	sld [smem:$0x3FFB];
	_ =	sdelay $0x3  }
0xa: {  	_ =	strace s19  }
0xb: {  	s3 =	sld [smem:$0x3FFC];
	_ =	sdelay $0x3  }
0xc: {  	_ =	strace s3  }
0xd: {  	s3 =	sld [smem:$0x3FFD];
	_ =	sdelay $0x3  }
0xe: {  	_ =	strace s3  }
0xf: {  	_ =	strace $0x8FFFFFFF  }
0x10: {  	s20 =	sld [smem:$0x3FDB];
	_ =	sdelay $0x1  }
0x11: {  	s4 =	simm.s32 $_scs_section_size  }
0x12: {  	s5 =	simm.s32 $_size__tile_overlayer_lowered;
	s6 =	simm.s32 $_tile_overlayer_lowered  }
0x13: {  	s23 =	simm.s32 $0x1BFF;
	s22 =	sshll.u32 s6, $0x1;
	s3 =	sadd.s32 s4, s20  }
0x14: {  	s7 =	simm.s32 $0x0;
	s21 =	sshll.u32 s5, $0x1;
	s5 =	sadd.s32 s22, s3  }
0x15: {  	[timem:s7], [sflag:s23] =	dma.local [hbm:s5], s21  }
0x16: {  	_ =	swait.ge [sflag:s23], s21  }
0x17: {  	s4 =	ssub.s32 $0x0, s21;
	[sflag:s23] =	ssyncset.done $0x0  }
0x18: {  	[sflag:s23] =	ssyncadd.s32 s4;
	_ =	sdelay $0x1  }
0x19: {  	s24 =	simm.s32 $0x1B8B  }
0x1a: {  	_ =	swait.ge [sflag:s24], $0x1  }
0x1b: {  	[sflag:s24] =	ssyncset.done $0x0  }
0x1c: {  	s26 =	simm.s32 $0x1B8E;
	s25 =	sld [smem:$0x3FFE];
	[sflag:s24] =	ssyncadd.s32 $0xFFFFFFFF  }
0x1d: {  	s27 =	simm.s32 $execute0_lowered;
	[smem:$0x3FD2] =	sst s26  }
0x1e: {  	s5 =	sshll.u32 s27, $0x1;
	_ =	strace $0x80000046;
	[dreg:$0x1] =	wrdreg $0xFFFFFFFF  }
0x1f: {  	s28 =	simm.s32 $_size_execute0_lowered;
	s3 =	sadd.s32 s3, s5;
	[dreg:$0x0] =	wrdreg $0x0  }
0x20: {  	s5 =	sshll.u32 s28, $0x1;
	[dreg:$0x2] =	wrdreg s3  }
0x21: {  	[dreg:$0x3] =	wrdreg s5  }
0x22: {  	[dreg:$0x4] =	wrdreg $0xC0  }
0x23: {  	_ =	task [dreg:s7], $0x5FFFF  }
0x24: {  	[dreg:$0x1] =	wrdreg $0xFFFFFFFF  }
0x25: {  	[dreg:$0x0] =	wrdreg $0x60  }
0x26: {  	[dreg:$0x2] =	wrdreg s2  }
0x27: {  	[dreg:$0x3] =	wrdreg s25  }
0x28: {  	[dreg:$0x4] =	wrdreg $0x9  }
0x29: {  	_ =	task.clear_ibuf [dreg:s7], $0x5FFFF;
	_ =	strace $0x90000046  }
0x2a: {  	s29 =	simm.s32 $0x9;
	_ =	strace $0x80000048  }
0x2b: {  	_ =	swait.ge [sflag:s29], $0x1  }
0x2c: {  	[sflag:s29] =	ssyncadd.s32 $0xFFFFFFFF  }
0x2d: {  	_ =	strace $0x90000048  }
0x2e: {  	_ =	sfence  }
0x2f: {  	s30 =	sld [smem:$0x0];
	_ =	sdelay $0x2  }
0x30: {  	s31 =	sshll.u32 s1, $0xD;
	s1 =	sshrl.u32 s1, $0x2  }
0x31: {  	s3 =	sand.u32 $0x4000, s31;
	s1 =	sadd.s32 s1, s30  }
0x32: {  	s0 =	sor.u32 s3, s0;
	s1 =	sshll.u32 s1, $0x11  }
0x33: {  	s0 =	sor.u32 s1, s0  }
0x34: {  	s0 =	sadd.s32 $0x8F2B, s0  }
0x35: {  	[sflag:s0] =	ssyncadd.remote.s32 $0x1  }
0x36: {  	_ =	sfence.sel $0xFFFF  }
0x37: {  	[dreg:$0x0] =	wrdreg $0xFFFFFFFF;
	(pc) =	sbr.abs _section_cstart, $3  }
0x38: {  	[dreg:$0x1] =	wrdreg $0xFFFFFFFF  }
0x39: {  	_ =	task.clear_ibuf [dreg:s7], $0x2FFFF;
	_ =	strace $0x9FFFFFFF  }
0x3a: {  	(tm) =	ssettm $0x7FFFFFFF  }
0x3b: {  	_ =	shalt  }
tec
execute0_lowered:
.L_overlay_start_1:
0x0: {  	(tag) =	ssettag $0x1  }
0x1: {  	s0 =	srdreg.scid  }
0x2: {  	s1 =	sshll.u32 s0, $0x4  }
0x3: {  	s2 =	rddreg [dreg:$0x0];
	s0 =	stileid.u32;
	s1 =	sand.u32 $0x10, s1  }
0x4: {  	s4 =	rddreg [dreg:$0x1];
	s7 =	simm.s32 $0x1;
	s1 =	sor.u32 s0, s1  }
0x5: {  	s8 =	simm.s32 $0x2;
	s9 =	simm.s32 $0x0;
	s3 =	sshll.u32 s1, $0x2  }
0x6: {  	s12 =	simm.s32 $0x0;
	s11 =	simm.s32 $0x0;
	s6 =	ssub.s32 $0x800, s3  }
.Ltmp0:
0x7: {  	s4 =	sadd.s32 $0xC00, s4;
	s5 =	sand.u32 $0x7C, s6;
	(pc) =	sbr.rel .LBB1_1-.Ltmp0, $4  }
0x8: {  	s1 =	rddreg [dreg:$0x2];
	_ =	strace $0x80000047;
	p0 =	sne.s32 s5, $0x0  }
0x9: {  	s6 =	sshrl.u32 s6, $0x7;
	s5 =	simm.s32 $0x1;
	s7 =	simm.s32 @!p0 $0x0  }
0xa: {  	s10 =	smov.u32 s3;
	[sflag:s5] =	ssyncpa.u1 $0x0;
	s6 =	sadd.s32 s7, s6  }
0xb: {  	[sflag:s8] =	ssyncpa.u1 $0x0;
	s8 =	simm.s32 $0x0;
	s7 =	sadd.s32 $0x1, s6  }
.LBB1_9:
0xc: {  	s14 =	sadd.s32 $0x80, s10  }
0xd: {  	p1 =	sgt.s32 s14, $0x7FF  }
0xe: {  	s14 =	smov.u32 @p1 s3;
	p1 =	sne.s32 s11, s7  }
.Ltmp1:
0xf: {  	p0 =	slt.u32 s11, $0x2;
	(pc) =	sbr.rel @!p1 .LBB1_10-.Ltmp1, $4  }
0x10: {  	s13 =	simm.s32 @!p0 $0x2  }
0x11: {  	s15 =	sadd.s32 $0x1, s11;
	_ =	swait.ge @!p0 [sflag:s13], $0x4000  }
0x12: {  	s12 =	smov.u32 s10;
	s9 =	sadd.s32 $0x4000, s9;
	[sflag:s13] =	ssyncset.done @!p0 $0x0  }
0x13: {  	s11 =	smov.u32 s15;
	s10 =	smov.u32 s14;
	[sflag:s13] =	ssyncadd.s32 @!p0 $0xFFFFC000  }
.LBB1_1:
0x14: {  	p0 =	sge.u32 s11, s6  }
0x15: {  	s13 =	sxor.u32 @!p0 $0xFFFFFFFF, s11  }
0x16: {  	s31 =	sadd.s32 $0xFFFFFFFF, s11;
	s14 =	sshll.u32 @!p0 s10, $0x9;
	s13 =	sshll.u32 @!p0 s13, $0xE  }
0x17: {  	s15 =	simm.s32 @!p0 $0x0;
	s14 =	sadd.s32 @!p0 s2, s14;
	s13 =	sand.u32 @!p0 $0x4000, s13  }
0x18: {  	[tilespmem:s13], [sflag:$0x1] =	stream.linear.gather @!p0 [hbm4b:s14+s15], $0x4000, $0x38;
	[tilespmem:$0x10000] =	vst v63  }
0x19: {  	p0 =	sge.u32 s31, s6  }
.Ltmp2:
0x1a: {  	_ = 	snop;
	(pc) =	sbr.rel @p0 .LBB1_9-.Ltmp2, $1  }
0x1b: {  	_ =	sdelay $0x3  }
0x1c: {  	s14 =	sand.u32 $0x4000, s9  }
0x1d: {  	_ =	swait.ge [sflag:s5], $0x4000;
	s15 =	sshll.u32 s11, $0xE;
	s16 =	simm.s32 $0x0  }
0x1e: {  	s13 =	sor.u32 $0x40, s14;
	[sflag:s5] =	ssyncset.done $0x0;
	s15 =	sand.u32 $0x4000, s15  }
0x1f: {  	s14 =	sor.u32 $0x8040, s14;
	[sflag:s5] =	ssyncadd.s32 $0xFFFFC000;
	s15 =	sor.u32 $0x8000, s15  }
.LBB1_3:
0x20: {  	s17 =	smov.u32 s14;
	s18 =	smov.u32 s13;
	s19 =	simm.s32 $0x0  }
.LBB1_4:
0x21: {  	v0 =	vmov s17;
	v2 =	vld [tilespmem:s18+$0x30]  }
0x22: {  	v4 =	vld [tilespmem:s18+$0xFFFFFFD0]  }
0x23: {  	v6 =	vld [tilespmem:s18+$0xFFFFFFE0]  }
0x24: {  	v7 =	vld [tilespmem:s18+$0xFFFFFFF0]  }
0x25: {  	s20 =	simm.s32 $0x0;
	v1 =	vld [tilespmem:s18+$0x0]  }
0x26: {  	v3 =	vld [tilespmem:s18+$0x10];
	[tilespmem:v0+s20+$0x30 ss:$0x1] =	vst.idx.msk $0xffff, v2  }
0x27: {  	v5 =	vld [tilespmem:s18+$0x20];
	[tilespmem:v0+s20+$0xFFFFFFD0 ss:$0x1] =	vst.idx.msk $0xffff, v4  }
0x28: {  	s21 =	sadd.s32 $0x80, s18;
	v2 =	vld [tilespmem:s18+$0xFFFFFFC0];
	[tilespmem:v0+s20+$0xFFFFFFE0 ss:$0x1] =	vst.idx.msk $0xffff, v6  }
0x29: {  	s22 =	simm.s32 $0x800;
	s23 =	simm.s32 $0x1000;
	v4 =	vld [tilespmem:s21+$0x30];
	[tilespmem:v0+s20+$0xFFFFFFF0 ss:$0x1] =	vst.idx.msk $0xffff, v7  }
.LBB1_5:
0x2a: {  	p0 =	sne.s32 s23, $0x3800;
	v6 =	vld [tilespmem:s21+$0xFFFFFFD0];
	[tilespmem:v0+s20+$0x0 ss:$0x1] =	vst.idx.msk $0xffff, v1  }
0x2b: {  	v7 =	vld [tilespmem:s21+$0xFFFFFFE0];
	[tilespmem:v0+s20+$0x10 ss:$0x1] =	vst.idx.msk $0xffff, v3  }
0x2c: {  	v8 =	vld [tilespmem:s21+$0xFFFFFFF0];
	[tilespmem:v0+s20+$0x20 ss:$0x1] =	vst.idx.msk $0xffff, v5  }
.Ltmp3:
0x2d: {  	v1 =	vld [tilespmem:s21+$0x0];
	[tilespmem:v0+s20+$0xFFFFFFC0 ss:$0x1] =	vst.idx.msk $0xffff, v2;
	s20 =	sshra.s32 s22, $0x2;
	s22 =	smov.u32 s23;
	(pc) =	sbr.rel @p0 .LBB1_5-.Ltmp3, $4  }
0x2e: {  	v3 =	vld [tilespmem:s21+$0x10];
	[tilespmem:v0+s20+$0x30 ss:$0x1] =	vst.idx.msk $0xffff, v4  }
0x2f: {  	[tilespmem:v0+s20+$0xFFFFFFD0 ss:$0x1] =	vst.idx.msk $0xffff, v6;
	v5 =	vld [tilespmem:s21+$0x20]  }
0x30: {  	v2 =	vld [tilespmem:s21+$0xFFFFFFC0];
	[tilespmem:v0+s20+$0xFFFFFFE0 ss:$0x1] =	vst.idx.msk $0xffff, v7;
	s21 =	sadd.s32 $0x80, s21  }
0x31: {  	s23 =	sadd.s32 $0x800, s23;
	v4 =	vld [tilespmem:s21+$0x30];
	[tilespmem:v0+s20+$0xFFFFFFF0 ss:$0x1] =	vst.idx.msk $0xffff, v8  }
0x32: {  	_ =	sdelay $0x3  }
0x33: {  	v6 =	vld [tilespmem:s21+$0xFFFFFFD0];
	[tilespmem:v0+s20+$0x0 ss:$0x1] =	vst.idx.msk $0xffff, v1  }
0x34: {  	v58 =	vld [tilespmem:s21+$0xFFFFFFE0];
	[tilespmem:v0+s20+$0x10 ss:$0x1] =	vst.idx.msk $0xffff, v3  }
0x35: {  	v59 =	vld [tilespmem:s21+$0xFFFFFFF0];
	[tilespmem:v0+s20+$0x20 ss:$0x1] =	vst.idx.msk $0xffff, v5  }
0x36: {  	s22 =	sshra.s32 s22, $0x2;
	v60 =	vld [tilespmem:s21+$0x0];
	[tilespmem:v0+s20+$0xFFFFFFC0 ss:$0x1] =	vst.idx.msk $0xffff, v2  }
0x37: {  	v61 =	vld [tilespmem:s21+$0x10];
	[tilespmem:v0+s22+$0x30 ss:$0x1] =	vst.idx.msk $0xffff, v4  }
0x38: {  	v62 =	vld [tilespmem:s21+$0x20];
	s19 =	sadd.s32 $0x1, s19;
	[tilespmem:v0+s22+$0xFFFFFFD0 ss:$0x1] =	vst.idx.msk $0xffff, v6  }
0x39: {  	v63 =	vld [tilespmem:s21+$0xFFFFFFC0];
	p0 =	sne.s32 s19, $0x4;
	[tilespmem:v0+s22+$0xFFFFFFE0 ss:$0x1] =	vst.idx.msk $0xffff, v58  }
.Ltmp4:
0x3a: {  	[tilespmem:v0+s22+$0xFFFFFFF0 ss:$0x1] =	vst.idx.msk $0xffff, v59;
	(pc) =	sbr.rel @p0 .LBB1_4-.Ltmp4, $4  }
0x3b: {  	[tilespmem:v0+s22+$0x0 ss:$0x1] =	vst.idx.msk $0xffff, v60  }
0x3c: {  	[tilespmem:v0+s22+$0x10 ss:$0x1] =	vst.idx.msk $0xffff, v61  }
0x3d: {  	[tilespmem:v0+s22+$0x20 ss:$0x1] =	vst.idx.msk $0xffff, v62  }
0x3e: {  	s18 =	sadd.s32 $0x400, s18;
	s17 =	sadd.s32 $0x80, s17;
	[tilespmem:v0+s22+$0xFFFFFFC0 ss:$0x1] =	vst.idx.msk $0xffff, v63  }
0x3f: {  	s16 =	sadd.s32 $0x1, s16  }
0x40: {  	p0 =	sne.s32 s16, $0x4  }
.Ltmp5:
0x41: {  	_ = 	snop;
	(pc) =	sbr.rel @p0 .LBB1_3-.Ltmp5, $2  }
0x42: {  	_ =	sdelay $0x2  }
0x43: {  	s13 =	sadd.s32 $0x1000, s13;
	s14 =	sadd.s32 $0x1000, s14  }
.Ltmp6:
0x44: {  	(pc) =	sbr.rel .LBB1_9-.Ltmp6, $4  }
0x45: {  	_ = 	snop  }
0x46: {  	s12 =	sshll.u32 s12, $0x9  }
0x47: {  	s12 =	sadd.s32 s4, s12  }
0x48: {  	[hbm4b:s12+s8] =	stream.linear.scatter [tilespmem:s15], [sflag:$0x2], $0x4000, $0x38;
	[tilespmem:$0x10000] =	vst v63  }
.LBB1_10:
0x49: {  	_ =	sfence.sel $0x180000  }
0x4a: {  	s2 =	simm.s32 $0x1;
	[bflag:$0x0] =	sbarrier.arrive $0xFFFF  }
0x4b: {  	s31 =	simm.s32 $0x2;
	[sflag:s2] =	ssyncpa.u1 $0x1  }
0x4c: {  	[sflag:s31] =	ssyncpa.u1 $0x1  }
0x4d: {  	p0 =	sne.s32 s0, $0x0;
	_ =	strace $0x90000047  }
0x4e: {  	s0 =	sadd.s32 @!p0 $0x100000, s1;
	[bflag:$0x2] =	sbarrier.arrive $0xFFFF  }
0x4f: {  	[sflag:s0] =	ssyncadd.tile.s32 @!p0 $0x1;
	_ =	shalt  }
.Lfunc_end1:
_tile_overlayer_lowered:
.L_overlay_start_2:
0x50: {  	(tag) =	ssettag $0x2  }
0x51: {  	s0 =	rddreg [dreg:$0x0];
	s2 =	stileid.u32  }
0x52: {  	s1 =	rddreg [dreg:$0x1];
	p0 =	sne.s32 s2, $0x0  }
0x53: {  	s3 =	rddreg [dreg:$0x2];
	[bflag:$0x3] =	sbarrier.arrive $0xFFFF;
	s2 =	simm.s32 @!p0 $0x1C01  }
0x54: {  	[timem:s3], [sflag:s2] =	dma.local @!p0 [hbm:s0], s1  }
0x55: {  	s0 =	simm.s32 @!p0 $0x1  }
0x56: {  	_ =	swait.ge @!p0 [sflag:s0], s1  }
0x57: {  	s1 =	ssub.s32 @!p0 $0x0, s1;
	[sflag:s0] =	ssyncset.done @!p0 $0x0  }
0x58: {  	[sflag:s0] =	ssyncadd.s32 @!p0 s1  }
0x59: {  	[bflag:$0x3] =	sbarrier.arrive $0xFFFF  }
0x5a: {  	_ =	shalt  }

</sc_bundles>
